<compile_context>
chip_gen: v7x
topology: tpu7x:2x2x1
jax: 0.10.2.dev20260603
libtpu: 0.0.44.dev20260713+nightly
codegen_flags: <defaults>
</compile_context>

<pallas_src>
import functools

import jax
import jax.numpy as jnp
from jax import lax
from jax.experimental import pallas as pl
from jax.experimental.pallas import tpu as pltpu
from jax.experimental.pallas import tpu_sc as plsc

_RB = 12544


def _pack_geometry(V):
    nblk = -(-V // (4 * _RB))
    V4 = nblk * _RB
    return nblk, V4


@functools.lru_cache(maxsize=None)
def _make_transpose_pack(V, D):
    nblk, V4 = _pack_geometry(V)

    def body(x0, x1, x2, x3, eye_ref, o_ref):
        X = jnp.concatenate(
            [x0[...], x1[...], x2[...], x3[...]], axis=0
        )
        o_ref[...] = lax.dot_general(
            X, eye_ref[...], (((0,), (0,)), ((), ())),
            preferred_element_type=jnp.float32,
        )

    def in_spec(k):
        return pl.BlockSpec((D, _RB), lambda i, _k=k: (0, _k * nblk + i))

    return pl.pallas_call(
        body,
        grid=(nblk,),
        in_specs=[
            in_spec(0), in_spec(1), in_spec(2), in_spec(3),
            pl.BlockSpec((4 * D, 4 * D), lambda i: (0, 0)),
        ],
        out_specs=pl.BlockSpec((_RB, 4 * D), lambda i: (i, 0)),
        out_shape=jax.ShapeDtypeStruct((V4, 4 * D), jnp.float32),
    )


@functools.lru_cache(maxsize=None)
def _make_gather(B, W):
    info = plsc.get_sparse_core_info()
    NC, NS = info.num_cores, info.num_subcores
    NW = NC * NS
    b_per_w = B // NW
    mesh = plsc.VectorSubcoreMesh(core_axis_name="c", subcore_axis_name="s")

    @functools.partial(
        pl.kernel,
        mesh=mesh,
        compiler_params=pltpu.CompilerParams(use_tc_tiling_on_sc=True),
        out_type=jax.ShapeDtypeStruct((B, W), jnp.float32),
        scratch_types=[
            pltpu.VMEM((b_per_w,), jnp.int32),
            pltpu.VMEM((b_per_w, W), jnp.float32),
            pltpu.SemaphoreType.DMA,
        ],
    )
    def gather(idx_hbm, table_hbm, out_hbm, idx_v, rows_v, sem):
        wid = lax.axis_index("s") * NC + lax.axis_index("c")
        base = wid * b_per_w
        pltpu.sync_copy(idx_hbm.at[pl.ds(base, b_per_w)], idx_v)

        def fire(g, carry):
            vec = idx_v[pl.ds(g * 16, 16)]
            for l in range(16):
                u = vec[l]
                pltpu.make_async_copy(
                    table_hbm.at[pl.ds(u, 1)],
                    rows_v.at[pl.ds(g * 16 + l, 1)],
                    sem,
                ).start()
            return carry

        lax.fori_loop(0, b_per_w // 16, fire, 0)

        def drain(i, carry):
            pltpu.make_async_copy(
                table_hbm.at[pl.ds(0, 1)], rows_v.at[pl.ds(i, 1)], sem
            ).wait()
            return carry

        lax.fori_loop(0, b_per_w, drain, 0, unroll=8)
        pltpu.sync_copy(rows_v, out_hbm.at[pl.ds(base, b_per_w)])

    return gather


def _mlp_body(x4_ref, slot_ref, w1_ref, b1_ref, w2_ref, b2_ref, o_ref):
    x4 = x4_ref[...]
    slot = slot_ref[...]
    D = w1_ref.shape[0]
    x = jnp.where(slot == 0, x4[:, 0:D], 0.0)
    for k in range(1, 4):
        x = jnp.where(slot == k, x4[:, k * D:(k + 1) * D], x)
    h = jnp.dot(x, w1_ref[...], preferred_element_type=jnp.float32)
    h = jnp.maximum(h + b1_ref[...], 0.0)
    o = jnp.dot(h, w2_ref[...], preferred_element_type=jnp.float32)
    o_ref[...] = o + b2_ref[...]


@functools.lru_cache(maxsize=None)
def _make_mlp(B, D, H, O, blk):
    grid = B // blk
    return pl.pallas_call(
        _mlp_body,
        grid=(grid,),
        in_specs=[
            pl.BlockSpec((blk, 4 * D), lambda i: (i, 0)),
            pl.BlockSpec((blk, 1), lambda i: (i, 0)),
            pl.BlockSpec((D, H), lambda i: (0, 0)),
            pl.BlockSpec((1, H), lambda i: (0, 0)),
            pl.BlockSpec((H, O), lambda i: (0, 0)),
            pl.BlockSpec((1, O), lambda i: (0, 0)),
        ],
        out_specs=pl.BlockSpec((blk, O), lambda i: (i, 0)),
        out_shape=jax.ShapeDtypeStruct((B, O), jnp.float32),
    )


def kernel(user_ids, table, W1, b1, W2, b2):
    B = user_ids.shape[0]
    V, D = table.shape
    H = W1.shape[1]
    O = W2.shape[1]
    _, V4 = _pack_geometry(V)
    idx = user_ids.astype(jnp.int32)
    rows = idx % V4
    slot = (idx // V4).reshape(B, 1)
    eye = jnp.eye(4 * D, dtype=jnp.float32)
    packed = _make_transpose_pack(V, D)(table.T, table.T, table.T, table.T, eye)
    x4 = _make_gather(B, 4 * D)(rows, packed)
    mlp = _make_mlp(B, D, H, O, 8192)
    return mlp(x4, slot, W1, b1.reshape(1, H), W2, b2.reshape(1, O))

# --- scband reference (transcript-rebuilt; emitter-appended) ---
"""Pipeline reference for scband-user-tower-944892805581 (READ-ONLY COPY).

The authoritative reference and input builder live on the scoring server;
editing this copy changes nothing except your own understanding.
"""

import jax, jax.numpy as jnp
import numpy as np

N_USERS = 1000000
EMBED_DIM = 32
HIDDEN = 128
OUTPUT_DIM = 64
BATCH = 16384


def setup_inputs(seed: int = 0) -> dict:
    key = jax.random.key(seed)
    k_ids, k_tab, k_w1, k_b1, k_w2, k_b2 = jax.random.split(key, 6)
    user_ids = jax.random.randint(k_ids, (BATCH,), 0, N_USERS, dtype=jnp.int64 if jax.config.jax_enable_x64 else jnp.int32)
    table = jax.random.normal(k_tab, (N_USERS, EMBED_DIM), dtype=jnp.float32)
    W1 = jax.random.normal(k_w1, (EMBED_DIM, HIDDEN), dtype=jnp.float32) * (1.0 / np.sqrt(EMBED_DIM))
    b1 = jnp.zeros((HIDDEN,), dtype=jnp.float32)
    W2 = jax.random.normal(k_w2, (HIDDEN, OUTPUT_DIM), dtype=jnp.float32) * (1.0 / np.sqrt(HIDDEN))
    b2 = jnp.zeros((OUTPUT_DIM,), dtype=jnp.float32)
    return {"user_ids": user_ids, "table": table, "W1": W1, "b1": b1, "W2": W2, "b2": b2}


def reference(user_ids, table, W1, b1, W2, b2):
    # embedding lookup (gather)
    user_vector = jnp.take(table, user_ids, axis=0)
    # MLP: Linear -> ReLU -> Linear
    h = jnp.maximum(user_vector @ W1 + b1, 0.0)
    out = h @ W2 + b2
    return out

if __name__ == "__main__":
    import jax
    _d = setup_inputs()
    print(jax.jit(kernel)(*tuple(_d.values())))

</pallas_src>

<mosaic_0001>
#map = affine_map<(d0, d1) -> (0)>
#map1 = affine_map<(d0, d1) -> (0, 0)>
module attributes {stable_mosaic.version = 14 : i64} {
  func.func @gather(%arg0: i32, %arg1: i32, %arg2: memref<16384xi32, #tpu.memory_space<hbm>>, %arg3: memref<250880x128xf32, #tpu.memory_space<hbm>>, %arg4: memref<16384x128xf32, #tpu.memory_space<hbm>>, %arg5: memref<512xi32, #tpu.memory_space<vmem>>, %arg6: memref<512x128xf32, #tpu.memory_space<vmem>>, %arg7: memref<!tpu.dma_semaphore, #tpu.memory_space<semaphore_mem>>) attributes {dimension_semantics = [#tpu.dimension_semantics<core_parallel>, #tpu.dimension_semantics<subcore_parallel>], iteration_bounds = array<i64: 2, 16>, scalar_prefetch = 0 : i64, scratch_operands = 3 : i64, tpu.core_type = #tpu.core_type<sc_vector_subcore>, window_params = [{transform_indices = #map}, {transform_indices = #map1}, {transform_indices = #map1}]} {
    %mul3A = arith.constant 2 : i32
    %mul3A_0 = arith.muli %arg1, %mul3A : i32
    %add3A = arith.addi %mul3A_0, %arg0 : i32
    %mul3A_1 = arith.constant 512 : i32
    %mul3A_2 = arith.muli %add3A, %mul3A_1 : i32
    "tpu.region"() ({
      %run_scoped3A = tpu.sem_alloc : memref<!tpu.dma_semaphore, #tpu.memory_space<semaphore_mem>>
      %dma_start3A = tpu.memref_slice %arg2[%mul3A_2] : memref<16384xi32, #tpu.memory_space<hbm>> -> memref<512xi32, #tpu.memory_space<hbm>>
      %dma_start3A_14 = tpu.memref_slice %arg2[%mul3A_2] : memref<16384xi32, #tpu.memory_space<hbm>> -> memref<512xi32, #tpu.memory_space<hbm>>
      tpu.enqueue_dma source(%dma_start3A_14 : memref<512xi32, #tpu.memory_space<hbm>>) target(%arg5 : memref<512xi32, #tpu.memory_space<vmem>>) target_semaphore(%run_scoped3A : memref<!tpu.dma_semaphore, #tpu.memory_space<semaphore_mem>>)
      %dma_wait3A = tpu.memref_slice %arg2[%mul3A_2] : memref<16384xi32, #tpu.memory_space<hbm>> -> memref<512xi32, #tpu.memory_space<hbm>>
      %dma_wait3A_15 = tpu.memref_slice %arg2[%mul3A_2] : memref<16384xi32, #tpu.memory_space<hbm>> -> memref<512xi32, #tpu.memory_space<hbm>>
      tpu.wait_dma2 semaphore(%run_scoped3A : memref<!tpu.dma_semaphore, #tpu.memory_space<semaphore_mem>>) src(%dma_wait3A_15 : memref<512xi32, #tpu.memory_space<hbm>>) dst(%arg5 : memref<512xi32, #tpu.memory_space<vmem>>)
      tpu.yield
    }) : () -> ()
    %scan3A = arith.constant 0 : i32
    %scan3A_3 = arith.constant 0 : i32
    %scan3A_4 = arith.constant 32 : i32
    %scan3A_5 = arith.addi %scan3A_3, %scan3A_4 : i32
    %scan3A_6 = arith.constant 1 : i32
    scf.for %scan3A_14 = %scan3A_3 to %scan3A_5 step %scan3A_6  : i32 {
      %mul3A_15 = arith.constant 16 : i32
      %mul3A_16 = arith.muli %scan3A_14, %mul3A_15 : i32
      %get3A = arith.index_cast %mul3A_16 : i32 to index
      %get3A_17 = tpu.vector_load %arg5[%get3A] {strides = array<i32>} : memref<512xi32, #tpu.memory_space<vmem>>, vector<16xi32>,
      %get3A_18 = vector.shape_cast %get3A_17 : vector<16xi32> to vector<16xi32>
      %slice3A = vector.extract_strided_slice %get3A_18 {offsets = [0], sizes = [1], strides = [1]} : vector<16xi32> to vector<1xi32>
      %squeeze3A = vector.extract %slice3A[0] : i32 from vector<1xi32>
      %mul3A_19 = arith.constant 16 : i32
      %mul3A_20 = arith.muli %scan3A_14, %mul3A_19 : i32
      %add3A_21 = arith.constant 0 : i32
      %add3A_22 = arith.addi %mul3A_20, %add3A_21 : i32
      %dma_start3A = arith.constant 0 : i32
      %dma_start3A_23 = tpu.memref_slice %arg6[%add3A_22, %dma_start3A] : memref<512x128xf32, #tpu.memory_space<vmem>> -> memref<1x128xf32, #tpu.memory_space<vmem>>
      %dma_start3A_24 = arith.constant 0 : i32
      %dma_start3A_25 = tpu.memref_slice %arg3[%squeeze3A, %dma_start3A_24] : memref<250880x128xf32, #tpu.memory_space<hbm>> -> memref<1x128xf32, #tpu.memory_space<hbm>>
      %dma_start3A_26 = arith.constant 0 : i32
      %dma_start3A_27 = tpu.memref_slice %arg6[%add3A_22, %dma_start3A_26] : memref<512x128xf32, #tpu.memory_space<vmem>> -> memref<1x128xf32, #tpu.memory_space<vmem>>
      %dma_start3A_28 = arith.constant 0 : i32
      %dma_start3A_29 = tpu.memref_slice %arg3[%squeeze3A, %dma_start3A_28] : memref<250880x128xf32, #tpu.memory_space<hbm>> -> memref<1x128xf32, #tpu.memory_space<hbm>>
      tpu.enqueue_dma source(%dma_start3A_29 : memref<1x128xf32, #tpu.memory_space<hbm>>) target(%dma_start3A_27 : memref<1x128xf32, #tpu.memory_space<vmem>>) target_semaphore(%arg7 : memref<!tpu.dma_semaphore, #tpu.memory_space<semaphore_mem>>)
      %slice3A_30 = vector.extract_strided_slice %get3A_18 {offsets = [1], sizes = [1], strides = [1]} : vector<16xi32> to vector<1xi32>
      %squeeze3A_31 = vector.extract %slice3A_30[0] : i32 from vector<1xi32>
      %mul3A_32 = arith.constant 16 : i32
      %mul3A_33 = arith.muli %scan3A_14, %mul3A_32 : i32
      %add3A_34 = arith.constant 1 : i32
      %add3A_35 = arith.addi %mul3A_33, %add3A_34 : i32
      %dma_start3A_36 = arith.constant 0 : i32
      %dma_start3A_37 = tpu.memref_slice %arg6[%add3A_35, %dma_start3A_36] : memref<512x128xf32, #tpu.memory_space<vmem>> -> memref<1x128xf32, #tpu.memory_space<vmem>>
      %dma_start3A_38 = arith.constant 0 : i32
      %dma_start3A_39 = tpu.memref_slice %arg3[%squeeze3A_31, %dma_start3A_38] : memref<250880x128xf32, #tpu.memory_space<hbm>> -> memref<1x128xf32, #tpu.memory_space<hbm>>
      %dma_start3A_40 = arith.constant 0 : i32
      %dma_start3A_41 = tpu.memref_slice %arg6[%add3A_35, %dma_start3A_40] : memref<512x128xf32, #tpu.memory_space<vmem>> -> memref<1x128xf32, #tpu.memory_space<vmem>>
      %dma_start3A_42 = arith.constant 0 : i32
      %dma_start3A_43 = tpu.memref_slice %arg3[%squeeze3A_31, %dma_start3A_42] : memref<250880x128xf32, #tpu.memory_space<hbm>> -> memref<1x128xf32, #tpu.memory_space<hbm>>
      tpu.enqueue_dma source(%dma_start3A_43 : memref<1x128xf32, #tpu.memory_space<hbm>>) target(%dma_start3A_41 : memref<1x128xf32, #tpu.memory_space<vmem>>) target_semaphore(%arg7 : memref<!tpu.dma_semaphore, #tpu.memory_space<semaphore_mem>>)
      %slice3A_44 = vector.extract_strided_slice %get3A_18 {offsets = [2], sizes = [1], strides = [1]} : vector<16xi32> to vector<1xi32>
      %squeeze3A_45 = vector.extract %slice3A_44[0] : i32 from vector<1xi32>
      %mul3A_46 = arith.constant 16 : i32
      %mul3A_47 = arith.muli %scan3A_14, %mul3A_46 : i32
      %add3A_48 = arith.constant 2 : i32
      %add3A_49 = arith.addi %mul3A_47, %add3A_48 : i32
      %dma_start3A_50 = arith.constant 0 : i32
      %dma_start3A_51 = tpu.memref_slice %arg6[%add3A_49, %dma_start3A_50] : memref<512x128xf32, #tpu.memory_space<vmem>> -> memref<1x128xf32, #tpu.memory_space<vmem>>
      %dma_start3A_52 = arith.constant 0 : i32
      %dma_start3A_53 = tpu.memref_slice %arg3[%squeeze3A_45, %dma_start3A_52] : memref<250880x128xf32, #tpu.memory_space<hbm>> -> memref<1x128xf32, #tpu.memory_space<hbm>>
      %dma_start3A_54 = arith.constant 0 : i32
      %dma_start3A_55 = tpu.memref_slice %arg6[%add3A_49, %dma_start3A_54] : memref<512x128xf32, #tpu.memory_space<vmem>> -> memref<1x128xf32, #tpu.memory_space<vmem>>
      %dma_start3A_56 = arith.constant 0 : i32
      %dma_start3A_57 = tpu.memref_slice %arg3[%squeeze3A_45, %dma_start3A_56] : memref<250880x128xf32, #tpu.memory_space<hbm>> -> memref<1x128xf32, #tpu.memory_space<hbm>>
      tpu.enqueue_dma source(%dma_start3A_57 : memref<1x128xf32, #tpu.memory_space<hbm>>) target(%dma_start3A_55 : memref<1x128xf32, #tpu.memory_space<vmem>>) target_semaphore(%arg7 : memref<!tpu.dma_semaphore, #tpu.memory_space<semaphore_mem>>)
      %slice3A_58 = vector.extract_strided_slice %get3A_18 {offsets = [3], sizes = [1], strides = [1]} : vector<16xi32> to vector<1xi32>
      %squeeze3A_59 = vector.extract %slice3A_58[0] : i32 from vector<1xi32>
      %mul3A_60 = arith.constant 16 : i32
      %mul3A_61 = arith.muli %scan3A_14, %mul3A_60 : i32
      %add3A_62 = arith.constant 3 : i32
      %add3A_63 = arith.addi %mul3A_61, %add3A_62 : i32
      %dma_start3A_64 = arith.constant 0 : i32
      %dma_start3A_65 = tpu.memref_slice %arg6[%add3A_63, %dma_start3A_64] : memref<512x128xf32, #tpu.memory_space<vmem>> -> memref<1x128xf32, #tpu.memory_space<vmem>>
      %dma_start3A_66 = arith.constant 0 : i32
      %dma_start3A_67 = tpu.memref_slice %arg3[%squeeze3A_59, %dma_start3A_66] : memref<250880x128xf32, #tpu.memory_space<hbm>> -> memref<1x128xf32, #tpu.memory_space<hbm>>
      %dma_start3A_68 = arith.constant 0 : i32
      %dma_start3A_69 = tpu.memref_slice %arg6[%add3A_63, %dma_start3A_68] : memref<512x128xf32, #tpu.memory_space<vmem>> -> memref<1x128xf32, #tpu.memory_space<vmem>>
      %dma_start3A_70 = arith.constant 0 : i32
      %dma_start3A_71 = tpu.memref_slice %arg3[%squeeze3A_59, %dma_start3A_70] : memref<250880x128xf32, #tpu.memory_space<hbm>> -> memref<1x128xf32, #tpu.memory_space<hbm>>
      tpu.enqueue_dma source(%dma_start3A_71 : memref<1x128xf32, #tpu.memory_space<hbm>>) target(%dma_start3A_69 : memref<1x128xf32, #tpu.memory_space<vmem>>) target_semaphore(%arg7 : memref<!tpu.dma_semaphore, #tpu.memory_space<semaphore_mem>>)
      %slice3A_72 = vector.extract_strided_slice %get3A_18 {offsets = [4], sizes = [1], strides = [1]} : vector<16xi32> to vector<1xi32>
      %squeeze3A_73 = vector.extract %slice3A_72[0] : i32 from vector<1xi32>
      %mul3A_74 = arith.constant 16 : i32
      %mul3A_75 = arith.muli %scan3A_14, %mul3A_74 : i32
      %add3A_76 = arith.constant 4 : i32
      %add3A_77 = arith.addi %mul3A_75, %add3A_76 : i32
      %dma_start3A_78 = arith.constant 0 : i32
      %dma_start3A_79 = tpu.memref_slice %arg6[%add3A_77, %dma_start3A_78] : memref<512x128xf32, #tpu.memory_space<vmem>> -> memref<1x128xf32, #tpu.memory_space<vmem>>
      %dma_start3A_80 = arith.constant 0 : i32
      %dma_start3A_81 = tpu.memref_slice %arg3[%squeeze3A_73, %dma_start3A_80] : memref<250880x128xf32, #tpu.memory_space<hbm>> -> memref<1x128xf32, #tpu.memory_space<hbm>>
      %dma_start3A_82 = arith.constant 0 : i32
      %dma_start3A_83 = tpu.memref_slice %arg6[%add3A_77, %dma_start3A_82] : memref<512x128xf32, #tpu.memory_space<vmem>> -> memref<1x128xf32, #tpu.memory_space<vmem>>
      %dma_start3A_84 = arith.constant 0 : i32
      %dma_start3A_85 = tpu.memref_slice %arg3[%squeeze3A_73, %dma_start3A_84] : memref<250880x128xf32, #tpu.memory_space<hbm>> -> memref<1x128xf32, #tpu.memory_space<hbm>>
      tpu.enqueue_dma source(%dma_start3A_85 : memref<1x128xf32, #tpu.memory_space<hbm>>) target(%dma_start3A_83 : memref<1x128xf32, #tpu.memory_space<vmem>>) target_semaphore(%arg7 : memref<!tpu.dma_semaphore, #tpu.memory_space<semaphore_mem>>)
      %slice3A_86 = vector.extract_strided_slice %get3A_18 {offsets = [5], sizes = [1], strides = [1]} : vector<16xi32> to vector<1xi32>
      %squeeze3A_87 = vector.extract %slice3A_86[0] : i32 from vector<1xi32>
      %mul3A_88 = arith.constant 16 : i32
      %mul3A_89 = arith.muli %scan3A_14, %mul3A_88 : i32
      %add3A_90 = arith.constant 5 : i32
      %add3A_91 = arith.addi %mul3A_89, %add3A_90 : i32
      %dma_start3A_92 = arith.constant 0 : i32
      %dma_start3A_93 = tpu.memref_slice %arg6[%add3A_91, %dma_start3A_92] : memref<512x128xf32, #tpu.memory_space<vmem>> -> memref<1x128xf32, #tpu.memory_space<vmem>>
      %dma_start3A_94 = arith.constant 0 : i32
      %dma_start3A_95 = tpu.memref_slice %arg3[%squeeze3A_87, %dma_start3A_94] : memref<250880x128xf32, #tpu.memory_space<hbm>> -> memref<1x128xf32, #tpu.memory_space<hbm>>
      %dma_start3A_96 = arith.constant 0 : i32
      %dma_start3A_97 = tpu.memref_slice %arg6[%add3A_91, %dma_start3A_96] : memref<512x128xf32, #tpu.memory_space<vmem>> -> memref<1x128xf32, #tpu.memory_space<vmem>>
      %dma_start3A_98 = arith.constant 0 : i32
      %dma_start3A_99 = tpu.memref_slice %arg3[%squeeze3A_87, %dma_start3A_98] : memref<250880x128xf32, #tpu.memory_space<hbm>> -> memref<1x128xf32, #tpu.memory_space<hbm>>
      tpu.enqueue_dma source(%dma_start3A_99 : memref<1x128xf32, #tpu.memory_space<hbm>>) target(%dma_start3A_97 : memref<1x128xf32, #tpu.memory_space<vmem>>) target_semaphore(%arg7 : memref<!tpu.dma_semaphore, #tpu.memory_space<semaphore_mem>>)
      %slice3A_100 = vector.extract_strided_slice %get3A_18 {offsets = [6], sizes = [1], strides = [1]} : vector<16xi32> to vector<1xi32>
      %squeeze3A_101 = vector.extract %slice3A_100[0] : i32 from vector<1xi32>
      %mul3A_102 = arith.constant 16 : i32
      %mul3A_103 = arith.muli %scan3A_14, %mul3A_102 : i32
      %add3A_104 = arith.constant 6 : i32
      %add3A_105 = arith.addi %mul3A_103, %add3A_104 : i32
      %dma_start3A_106 = arith.constant 0 : i32
      %dma_start3A_107 = tpu.memref_slice %arg6[%add3A_105, %dma_start3A_106] : memref<512x128xf32, #tpu.memory_space<vmem>> -> memref<1x128xf32, #tpu.memory_space<vmem>>
      %dma_start3A_108 = arith.constant 0 : i32
      %dma_start3A_109 = tpu.memref_slice %arg3[%squeeze3A_101, %dma_start3A_108] : memref<250880x128xf32, #tpu.memory_space<hbm>> -> memref<1x128xf32, #tpu.memory_space<hbm>>
      %dma_start3A_110 = arith.constant 0 : i32
      %dma_start3A_111 = tpu.memref_slice %arg6[%add3A_105, %dma_start3A_110] : memref<512x128xf32, #tpu.memory_space<vmem>> -> memref<1x128xf32, #tpu.memory_space<vmem>>
      %dma_start3A_112 = arith.constant 0 : i32
      %dma_start3A_113 = tpu.memref_slice %arg3[%squeeze3A_101, %dma_start3A_112] : memref<250880x128xf32, #tpu.memory_space<hbm>> -> memref<1x128xf32, #tpu.memory_space<hbm>>
      tpu.enqueue_dma source(%dma_start3A_113 : memref<1x128xf32, #tpu.memory_space<hbm>>) target(%dma_start3A_111 : memref<1x128xf32, #tpu.memory_space<vmem>>) target_semaphore(%arg7 : memref<!tpu.dma_semaphore, #tpu.memory_space<semaphore_mem>>)
      %slice3A_114 = vector.extract_strided_slice %get3A_18 {offsets = [7], sizes = [1], strides = [1]} : vector<16xi32> to vector<1xi32>
      %squeeze3A_115 = vector.extract %slice3A_114[0] : i32 from vector<1xi32>
      %mul3A_116 = arith.constant 16 : i32
      %mul3A_117 = arith.muli %scan3A_14, %mul3A_116 : i32
      %add3A_118 = arith.constant 7 : i32
      %add3A_119 = arith.addi %mul3A_117, %add3A_118 : i32
      %dma_start3A_120 = arith.constant 0 : i32
      %dma_start3A_121 = tpu.memref_slice %arg6[%add3A_119, %dma_start3A_120] : memref<512x128xf32, #tpu.memory_space<vmem>> -> memref<1x128xf32, #tpu.memory_space<vmem>>
      %dma_start3A_122 = arith.constant 0 : i32
      %dma_start3A_123 = tpu.memref_slice %arg3[%squeeze3A_115, %dma_start3A_122] : memref<250880x128xf32, #tpu.memory_space<hbm>> -> memref<1x128xf32, #tpu.memory_space<hbm>>
      %dma_start3A_124 = arith.constant 0 : i32
      %dma_start3A_125 = tpu.memref_slice %arg6[%add3A_119, %dma_start3A_124] : memref<512x128xf32, #tpu.memory_space<vmem>> -> memref<1x128xf32, #tpu.memory_space<vmem>>
      %dma_start3A_126 = arith.constant 0 : i32
      %dma_start3A_127 = tpu.memref_slice %arg3[%squeeze3A_115, %dma_start3A_126] : memref<250880x128xf32, #tpu.memory_space<hbm>> -> memref<1x128xf32, #tpu.memory_space<hbm>>
      tpu.enqueue_dma source(%dma_start3A_127 : memref<1x128xf32, #tpu.memory_space<hbm>>) target(%dma_start3A_125 : memref<1x128xf32, #tpu.memory_space<vmem>>) target_semaphore(%arg7 : memref<!tpu.dma_semaphore, #tpu.memory_space<semaphore_mem>>)
      %slice3A_128 = vector.extract_strided_slice %get3A_18 {offsets = [8], sizes = [1], strides = [1]} : vector<16xi32> to vector<1xi32>
      %squeeze3A_129 = vector.extract %slice3A_128[0] : i32 from vector<1xi32>
      %mul3A_130 = arith.constant 16 : i32
      %mul3A_131 = arith.muli %scan3A_14, %mul3A_130 : i32
      %add3A_132 = arith.constant 8 : i32
      %add3A_133 = arith.addi %mul3A_131, %add3A_132 : i32
      %dma_start3A_134 = arith.constant 0 : i32
      %dma_start3A_135 = tpu.memref_slice %arg6[%add3A_133, %dma_start3A_134] : memref<512x128xf32, #tpu.memory_space<vmem>> -> memref<1x128xf32, #tpu.memory_space<vmem>>
      %dma_start3A_136 = arith.constant 0 : i32
      %dma_start3A_137 = tpu.memref_slice %arg3[%squeeze3A_129, %dma_start3A_136] : memref<250880x128xf32, #tpu.memory_space<hbm>> -> memref<1x128xf32, #tpu.memory_space<hbm>>
      %dma_start3A_138 = arith.constant 0 : i32
      %dma_start3A_139 = tpu.memref_slice %arg6[%add3A_133, %dma_start3A_138] : memref<512x128xf32, #tpu.memory_space<vmem>> -> memref<1x128xf32, #tpu.memory_space<vmem>>
      %dma_start3A_140 = arith.constant 0 : i32
      %dma_start3A_141 = tpu.memref_slice %arg3[%squeeze3A_129, %dma_start3A_140] : memref<250880x128xf32, #tpu.memory_space<hbm>> -> memref<1x128xf32, #tpu.memory_space<hbm>>
      tpu.enqueue_dma source(%dma_start3A_141 : memref<1x128xf32, #tpu.memory_space<hbm>>) target(%dma_start3A_139 : memref<1x128xf32, #tpu.memory_space<vmem>>) target_semaphore(%arg7 : memref<!tpu.dma_semaphore, #tpu.memory_space<semaphore_mem>>)
      %slice3A_142 = vector.extract_strided_slice %get3A_18 {offsets = [9], sizes = [1], strides = [1]} : vector<16xi32> to vector<1xi32>
      %squeeze3A_143 = vector.extract %slice3A_142[0] : i32 from vector<1xi32>
      %mul3A_144 = arith.constant 16 : i32
      %mul3A_145 = arith.muli %scan3A_14, %mul3A_144 : i32
      %add3A_146 = arith.constant 9 : i32
      %add3A_147 = arith.addi %mul3A_145, %add3A_146 : i32
      %dma_start3A_148 = arith.constant 0 : i32
      %dma_start3A_149 = tpu.memref_slice %arg6[%add3A_147, %dma_start3A_148] : memref<512x128xf32, #tpu.memory_space<vmem>> -> memref<1x128xf32, #tpu.memory_space<vmem>>
      %dma_start3A_150 = arith.constant 0 : i32
      %dma_start3A_151 = tpu.memref_slice %arg3[%squeeze3A_143, %dma_start3A_150] : memref<250880x128xf32, #tpu.memory_space<hbm>> -> memref<1x128xf32, #tpu.memory_space<hbm>>
      %dma_start3A_152 = arith.constant 0 : i32
      %dma_start3A_153 = tpu.memref_slice %arg6[%add3A_147, %dma_start3A_152] : memref<512x128xf32, #tpu.memory_space<vmem>> -> memref<1x128xf32, #tpu.memory_space<vmem>>
      %dma_start3A_154 = arith.constant 0 : i32
      %dma_start3A_155 = tpu.memref_slice %arg3[%squeeze3A_143, %dma_start3A_154] : memref<250880x128xf32, #tpu.memory_space<hbm>> -> memref<1x128xf32, #tpu.memory_space<hbm>>
      tpu.enqueue_dma source(%dma_start3A_155 : memref<1x128xf32, #tpu.memory_space<hbm>>) target(%dma_start3A_153 : memref<1x128xf32, #tpu.memory_space<vmem>>) target_semaphore(%arg7 : memref<!tpu.dma_semaphore, #tpu.memory_space<semaphore_mem>>)
      %slice3A_156 = vector.extract_strided_slice %get3A_18 {offsets = [10], sizes = [1], strides = [1]} : vector<16xi32> to vector<1xi32>
      %squeeze3A_157 = vector.extract %slice3A_156[0] : i32 from vector<1xi32>
      %mul3A_158 = arith.constant 16 : i32
      %mul3A_159 = arith.muli %scan3A_14, %mul3A_158 : i32
      %add3A_160 = arith.constant 10 : i32
      %add3A_161 = arith.addi %mul3A_159, %add3A_160 : i32
      %dma_start3A_162 = arith.constant 0 : i32
      %dma_start3A_163 = tpu.memref_slice %arg6[%add3A_161, %dma_start3A_162] : memref<512x128xf32, #tpu.memory_space<vmem>> -> memref<1x128xf32, #tpu.memory_space<vmem>>
      %dma_start3A_164 = arith.constant 0 : i32
      %dma_start3A_165 = tpu.memref_slice %arg3[%squeeze3A_157, %dma_start3A_164] : memref<250880x128xf32, #tpu.memory_space<hbm>> -> memref<1x128xf32, #tpu.memory_space<hbm>>
      %dma_start3A_166 = arith.constant 0 : i32
      %dma_start3A_167 = tpu.memref_slice %arg6[%add3A_161, %dma_start3A_166] : memref<512x128xf32, #tpu.memory_space<vmem>> -> memref<1x128xf32, #tpu.memory_space<vmem>>
      %dma_start3A_168 = arith.constant 0 : i32
      %dma_start3A_169 = tpu.memref_slice %arg3[%squeeze3A_157, %dma_start3A_168] : memref<250880x128xf32, #tpu.memory_space<hbm>> -> memref<1x128xf32, #tpu.memory_space<hbm>>
      tpu.enqueue_dma source(%dma_start3A_169 : memref<1x128xf32, #tpu.memory_space<hbm>>) target(%dma_start3A_167 : memref<1x128xf32, #tpu.memory_space<vmem>>) target_semaphore(%arg7 : memref<!tpu.dma_semaphore, #tpu.memory_space<semaphore_mem>>)
      %slice3A_170 = vector.extract_strided_slice %get3A_18 {offsets = [11], sizes = [1], strides = [1]} : vector<16xi32> to vector<1xi32>
      %squeeze3A_171 = vector.extract %slice3A_170[0] : i32 from vector<1xi32>
      %mul3A_172 = arith.constant 16 : i32
      %mul3A_173 = arith.muli %scan3A_14, %mul3A_172 : i32
      %add3A_174 = arith.constant 11 : i32
      %add3A_175 = arith.addi %mul3A_173, %add3A_174 : i32
      %dma_start3A_176 = arith.constant 0 : i32
      %dma_start3A_177 = tpu.memref_slice %arg6[%add3A_175, %dma_start3A_176] : memref<512x128xf32, #tpu.memory_space<vmem>> -> memref<1x128xf32, #tpu.memory_space<vmem>>
      %dma_start3A_178 = arith.constant 0 : i32
      %dma_start3A_179 = tpu.memref_slice %arg3[%squeeze3A_171, %dma_start3A_178] : memref<250880x128xf32, #tpu.memory_space<hbm>> -> memref<1x128xf32, #tpu.memory_space<hbm>>
      %dma_start3A_180 = arith.constant 0 : i32
      %dma_start3A_181 = tpu.memref_slice %arg6[%add3A_175, %dma_start3A_180] : memref<512x128xf32, #tpu.memory_space<vmem>> -> memref<1x128xf32, #tpu.memory_space<vmem>>
      %dma_start3A_182 = arith.constant 0 : i32
      %dma_start3A_183 = tpu.memref_slice %arg3[%squeeze3A_171, %dma_start3A_182] : memref<250880x128xf32, #tpu.memory_space<hbm>> -> memref<1x128xf32, #tpu.memory_space<hbm>>
      tpu.enqueue_dma source(%dma_start3A_183 : memref<1x128xf32, #tpu.memory_space<hbm>>) target(%dma_start3A_181 : memref<1x128xf32, #tpu.memory_space<vmem>>) target_semaphore(%arg7 : memref<!tpu.dma_semaphore, #tpu.memory_space<semaphore_mem>>)
      %slice3A_184 = vector.extract_strided_slice %get3A_18 {offsets = [12], sizes = [1], strides = [1]} : vector<16xi32> to vector<1xi32>
      %squeeze3A_185 = vector.extract %slice3A_184[0] : i32 from vector<1xi32>
      %mul3A_186 = arith.constant 16 : i32
      %mul3A_187 = arith.muli %scan3A_14, %mul3A_186 : i32
      %add3A_188 = arith.constant 12 : i32
      %add3A_189 = arith.addi %mul3A_187, %add3A_188 : i32
      %dma_start3A_190 = arith.constant 0 : i32
      %dma_start3A_191 = tpu.memref_slice %arg6[%add3A_189, %dma_start3A_190] : memref<512x128xf32, #tpu.memory_space<vmem>> -> memref<1x128xf32, #tpu.memory_space<vmem>>
      %dma_start3A_192 = arith.constant 0 : i32
      %dma_start3A_193 = tpu.memref_slice %arg3[%squeeze3A_185, %dma_start3A_192] : memref<250880x128xf32, #tpu.memory_space<hbm>> -> memref<1x128xf32, #tpu.memory_space<hbm>>
      %dma_start3A_194 = arith.constant 0 : i32
      %dma_start3A_195 = tpu.memref_slice %arg6[%add3A_189, %dma_start3A_194] : memref<512x128xf32, #tpu.memory_space<vmem>> -> memref<1x128xf32, #tpu.memory_space<vmem>>
      %dma_start3A_196 = arith.constant 0 : i32
      %dma_start3A_197 = tpu.memref_slice %arg3[%squeeze3A_185, %dma_start3A_196] : memref<250880x128xf32, #tpu.memory_space<hbm>> -> memref<1x128xf32, #tpu.memory_space<hbm>>
      tpu.enqueue_dma source(%dma_start3A_197 : memref<1x128xf32, #tpu.memory_space<hbm>>) target(%dma_start3A_195 : memref<1x128xf32, #tpu.memory_space<vmem>>) target_semaphore(%arg7 : memref<!tpu.dma_semaphore, #tpu.memory_space<semaphore_mem>>)
      %slice3A_198 = vector.extract_strided_slice %get3A_18 {offsets = [13], sizes = [1], strides = [1]} : vector<16xi32> to vector<1xi32>
      %squeeze3A_199 = vector.extract %slice3A_198[0] : i32 from vector<1xi32>
      %mul3A_200 = arith.constant 16 : i32
      %mul3A_201 = arith.muli %scan3A_14, %mul3A_200 : i32
      %add3A_202 = arith.constant 13 : i32
      %add3A_203 = arith.addi %mul3A_201, %add3A_202 : i32
      %dma_start3A_204 = arith.constant 0 : i32
      %dma_start3A_205 = tpu.memref_slice %arg6[%add3A_203, %dma_start3A_204] : memref<512x128xf32, #tpu.memory_space<vmem>> -> memref<1x128xf32, #tpu.memory_space<vmem>>
      %dma_start3A_206 = arith.constant 0 : i32
      %dma_start3A_207 = tpu.memref_slice %arg3[%squeeze3A_199, %dma_start3A_206] : memref<250880x128xf32, #tpu.memory_space<hbm>> -> memref<1x128xf32, #tpu.memory_space<hbm>>
      %dma_start3A_208 = arith.constant 0 : i32
      %dma_start3A_209 = tpu.memref_slice %arg6[%add3A_203, %dma_start3A_208] : memref<512x128xf32, #tpu.memory_space<vmem>> -> memref<1x128xf32, #tpu.memory_space<vmem>>
      %dma_start3A_210 = arith.constant 0 : i32
      %dma_start3A_211 = tpu.memref_slice %arg3[%squeeze3A_199, %dma_start3A_210] : memref<250880x128xf32, #tpu.memory_space<hbm>> -> memref<1x128xf32, #tpu.memory_space<hbm>>
      tpu.enqueue_dma source(%dma_start3A_211 : memref<1x128xf32, #tpu.memory_space<hbm>>) target(%dma_start3A_209 : memref<1x128xf32, #tpu.memory_space<vmem>>) target_semaphore(%arg7 : memref<!tpu.dma_semaphore, #tpu.memory_space<semaphore_mem>>)
      %slice3A_212 = vector.extract_strided_slice %get3A_18 {offsets = [14], sizes = [1], strides = [1]} : vector<16xi32> to vector<1xi32>
      %squeeze3A_213 = vector.extract %slice3A_212[0] : i32 from vector<1xi32>
      %mul3A_214 = arith.constant 16 : i32
      %mul3A_215 = arith.muli %scan3A_14, %mul3A_214 : i32
      %add3A_216 = arith.constant 14 : i32
      %add3A_217 = arith.addi %mul3A_215, %add3A_216 : i32
      %dma_start3A_218 = arith.constant 0 : i32
      %dma_start3A_219 = tpu.memref_slice %arg6[%add3A_217, %dma_start3A_218] : memref<512x128xf32, #tpu.memory_space<vmem>> -> memref<1x128xf32, #tpu.memory_space<vmem>>
      %dma_start3A_220 = arith.constant 0 : i32
      %dma_start3A_221 = tpu.memref_slice %arg3[%squeeze3A_213, %dma_start3A_220] : memref<250880x128xf32, #tpu.memory_space<hbm>> -> memref<1x128xf32, #tpu.memory_space<hbm>>
      %dma_start3A_222 = arith.constant 0 : i32
      %dma_start3A_223 = tpu.memref_slice %arg6[%add3A_217, %dma_start3A_222] : memref<512x128xf32, #tpu.memory_space<vmem>> -> memref<1x128xf32, #tpu.memory_space<vmem>>
      %dma_start3A_224 = arith.constant 0 : i32
      %dma_start3A_225 = tpu.memref_slice %arg3[%squeeze3A_213, %dma_start3A_224] : memref<250880x128xf32, #tpu.memory_space<hbm>> -> memref<1x128xf32, #tpu.memory_space<hbm>>
      tpu.enqueue_dma source(%dma_start3A_225 : memref<1x128xf32, #tpu.memory_space<hbm>>) target(%dma_start3A_223 : memref<1x128xf32, #tpu.memory_space<vmem>>) target_semaphore(%arg7 : memref<!tpu.dma_semaphore, #tpu.memory_space<semaphore_mem>>)
      %slice3A_226 = vector.extract_strided_slice %get3A_18 {offsets = [15], sizes = [1], strides = [1]} : vector<16xi32> to vector<1xi32>
      %squeeze3A_227 = vector.extract %slice3A_226[0] : i32 from vector<1xi32>
      %mul3A_228 = arith.constant 16 : i32
      %mul3A_229 = arith.muli %scan3A_14, %mul3A_228 : i32
      %add3A_230 = arith.constant 15 : i32
      %add3A_231 = arith.addi %mul3A_229, %add3A_230 : i32
      %dma_start3A_232 = arith.constant 0 : i32
      %dma_start3A_233 = tpu.memref_slice %arg6[%add3A_231, %dma_start3A_232] : memref<512x128xf32, #tpu.memory_space<vmem>> -> memref<1x128xf32, #tpu.memory_space<vmem>>
      %dma_start3A_234 = arith.constant 0 : i32
      %dma_start3A_235 = tpu.memref_slice %arg3[%squeeze3A_227, %dma_start3A_234] : memref<250880x128xf32, #tpu.memory_space<hbm>> -> memref<1x128xf32, #tpu.memory_space<hbm>>
      %dma_start3A_236 = arith.constant 0 : i32
      %dma_start3A_237 = tpu.memref_slice %arg6[%add3A_231, %dma_start3A_236] : memref<512x128xf32, #tpu.memory_space<vmem>> -> memref<1x128xf32, #tpu.memory_space<vmem>>
      %dma_start3A_238 = arith.constant 0 : i32
      %dma_start3A_239 = tpu.memref_slice %arg3[%squeeze3A_227, %dma_start3A_238] : memref<250880x128xf32, #tpu.memory_space<hbm>> -> memref<1x128xf32, #tpu.memory_space<hbm>>
      tpu.enqueue_dma source(%dma_start3A_239 : memref<1x128xf32, #tpu.memory_space<hbm>>) target(%dma_start3A_237 : memref<1x128xf32, #tpu.memory_space<vmem>>) target_semaphore(%arg7 : memref<!tpu.dma_semaphore, #tpu.memory_space<semaphore_mem>>)
    }
    %scan3A_7 = arith.constant 32 : i32
    %scan3A_8 = arith.constant 0 : i32
    %scan3A_9 = arith.constant 0 : i32
    %scan3A_10 = arith.constant 512 : i32
    %scan3A_11 = arith.addi %scan3A_9, %scan3A_10 : i32
    %scan3A_12 = arith.constant 8 : i32
    scf.for %scan3A_14 = %scan3A_9 to %scan3A_11 step %scan3A_12  : i32 {
      %dma_wait3A = arith.constant 0 : i32
      %dma_wait3A_15 = tpu.memref_slice %arg6[%scan3A_14, %dma_wait3A] : memref<512x128xf32, #tpu.memory_space<vmem>> -> memref<1x128xf32, #tpu.memory_space<vmem>>
      %dma_wait3A_16 = arith.constant 0 : i32
      %dma_wait3A_17 = arith.constant 0 : i32
      %dma_wait3A_18 = tpu.memref_slice %arg3[%dma_wait3A_16, %dma_wait3A_17] : memref<250880x128xf32, #tpu.memory_space<hbm>> -> memref<1x128xf32, #tpu.memory_space<hbm>>
      %dma_wait3A_19 = arith.constant 0 : i32
      %dma_wait3A_20 = tpu.memref_slice %arg6[%scan3A_14, %dma_wait3A_19] : memref<512x128xf32, #tpu.memory_space<vmem>> -> memref<1x128xf32, #tpu.memory_space<vmem>>
      %dma_wait3A_21 = arith.constant 0 : i32
      %dma_wait3A_22 = arith.constant 0 : i32
      %dma_wait3A_23 = tpu.memref_slice %arg3[%dma_wait3A_21, %dma_wait3A_22] : memref<250880x128xf32, #tpu.memory_space<hbm>> -> memref<1x128xf32, #tpu.memory_space<hbm>>
      tpu.wait_dma2 semaphore(%arg7 : memref<!tpu.dma_semaphore, #tpu.memory_space<semaphore_mem>>) src(%dma_wait3A_23 : memref<1x128xf32, #tpu.memory_space<hbm>>) dst(%dma_wait3A_20 : memref<1x128xf32, #tpu.memory_space<vmem>>)
      %scan3A_24 = arith.constant 1 : i32
      %scan3A_25 = arith.addi %scan3A_14, %scan3A_24 : i32
      %dma_wait3A_26 = arith.constant 0 : i32
      %dma_wait3A_27 = tpu.memref_slice %arg6[%scan3A_25, %dma_wait3A_26] : memref<512x128xf32, #tpu.memory_space<vmem>> -> memref<1x128xf32, #tpu.memory_space<vmem>>
      %dma_wait3A_28 = arith.constant 0 : i32
      %dma_wait3A_29 = arith.constant 0 : i32
      %dma_wait3A_30 = tpu.memref_slice %arg3[%dma_wait3A_28, %dma_wait3A_29] : memref<250880x128xf32, #tpu.memory_space<hbm>> -> memref<1x128xf32, #tpu.memory_space<hbm>>
      %dma_wait3A_31 = arith.constant 0 : i32
      %dma_wait3A_32 = tpu.memref_slice %arg6[%scan3A_25, %dma_wait3A_31] : memref<512x128xf32, #tpu.memory_space<vmem>> -> memref<1x128xf32, #tpu.memory_space<vmem>>
      %dma_wait3A_33 = arith.constant 0 : i32
      %dma_wait3A_34 = arith.constant 0 : i32
      %dma_wait3A_35 = tpu.memref_slice %arg3[%dma_wait3A_33, %dma_wait3A_34] : memref<250880x128xf32, #tpu.memory_space<hbm>> -> memref<1x128xf32, #tpu.memory_space<hbm>>
      tpu.wait_dma2 semaphore(%arg7 : memref<!tpu.dma_semaphore, #tpu.memory_space<semaphore_mem>>) src(%dma_wait3A_35 : memref<1x128xf32, #tpu.memory_space<hbm>>) dst(%dma_wait3A_32 : memref<1x128xf32, #tpu.memory_space<vmem>>)
      %scan3A_36 = arith.constant 2 : i32
      %scan3A_37 = arith.addi %scan3A_14, %scan3A_36 : i32
      %dma_wait3A_38 = arith.constant 0 : i32
      %dma_wait3A_39 = tpu.memref_slice %arg6[%scan3A_37, %dma_wait3A_38] : memref<512x128xf32, #tpu.memory_space<vmem>> -> memref<1x128xf32, #tpu.memory_space<vmem>>
      %dma_wait3A_40 = arith.constant 0 : i32
      %dma_wait3A_41 = arith.constant 0 : i32
      %dma_wait3A_42 = tpu.memref_slice %arg3[%dma_wait3A_40, %dma_wait3A_41] : memref<250880x128xf32, #tpu.memory_space<hbm>> -> memref<1x128xf32, #tpu.memory_space<hbm>>
      %dma_wait3A_43 = arith.constant 0 : i32
      %dma_wait3A_44 = tpu.memref_slice %arg6[%scan3A_37, %dma_wait3A_43] : memref<512x128xf32, #tpu.memory_space<vmem>> -> memref<1x128xf32, #tpu.memory_space<vmem>>
      %dma_wait3A_45 = arith.constant 0 : i32
      %dma_wait3A_46 = arith.constant 0 : i32
      %dma_wait3A_47 = tpu.memref_slice %arg3[%dma_wait3A_45, %dma_wait3A_46] : memref<250880x128xf32, #tpu.memory_space<hbm>> -> memref<1x128xf32, #tpu.memory_space<hbm>>
      tpu.wait_dma2 semaphore(%arg7 : memref<!tpu.dma_semaphore, #tpu.memory_space<semaphore_mem>>) src(%dma_wait3A_47 : memref<1x128xf32, #tpu.memory_space<hbm>>) dst(%dma_wait3A_44 : memref<1x128xf32, #tpu.memory_space<vmem>>)
      %scan3A_48 = arith.constant 3 : i32
      %scan3A_49 = arith.addi %scan3A_14, %scan3A_48 : i32
      %dma_wait3A_50 = arith.constant 0 : i32
      %dma_wait3A_51 = tpu.memref_slice %arg6[%scan3A_49, %dma_wait3A_50] : memref<512x128xf32, #tpu.memory_space<vmem>> -> memref<1x128xf32, #tpu.memory_space<vmem>>
      %dma_wait3A_52 = arith.constant 0 : i32
      %dma_wait3A_53 = arith.constant 0 : i32
      %dma_wait3A_54 = tpu.memref_slice %arg3[%dma_wait3A_52, %dma_wait3A_53] : memref<250880x128xf32, #tpu.memory_space<hbm>> -> memref<1x128xf32, #tpu.memory_space<hbm>>
      %dma_wait3A_55 = arith.constant 0 : i32
      %dma_wait3A_56 = tpu.memref_slice %arg6[%scan3A_49, %dma_wait3A_55] : memref<512x128xf32, #tpu.memory_space<vmem>> -> memref<1x128xf32, #tpu.memory_space<vmem>>
      %dma_wait3A_57 = arith.constant 0 : i32
      %dma_wait3A_58 = arith.constant 0 : i32
      %dma_wait3A_59 = tpu.memref_slice %arg3[%dma_wait3A_57, %dma_wait3A_58] : memref<250880x128xf32, #tpu.memory_space<hbm>> -> memref<1x128xf32, #tpu.memory_space<hbm>>
      tpu.wait_dma2 semaphore(%arg7 : memref<!tpu.dma_semaphore, #tpu.memory_space<semaphore_mem>>) src(%dma_wait3A_59 : memref<1x128xf32, #tpu.memory_space<hbm>>) dst(%dma_wait3A_56 : memref<1x128xf32, #tpu.memory_space<vmem>>)
      %scan3A_60 = arith.constant 4 : i32
      %scan3A_61 = arith.addi %scan3A_14, %scan3A_60 : i32
      %dma_wait3A_62 = arith.constant 0 : i32
      %dma_wait3A_63 = tpu.memref_slice %arg6[%scan3A_61, %dma_wait3A_62] : memref<512x128xf32, #tpu.memory_space<vmem>> -> memref<1x128xf32, #tpu.memory_space<vmem>>
      %dma_wait3A_64 = arith.constant 0 : i32
      %dma_wait3A_65 = arith.constant 0 : i32
      %dma_wait3A_66 = tpu.memref_slice %arg3[%dma_wait3A_64, %dma_wait3A_65] : memref<250880x128xf32, #tpu.memory_space<hbm>> -> memref<1x128xf32, #tpu.memory_space<hbm>>
      %dma_wait3A_67 = arith.constant 0 : i32
      %dma_wait3A_68 = tpu.memref_slice %arg6[%scan3A_61, %dma_wait3A_67] : memref<512x128xf32, #tpu.memory_space<vmem>> -> memref<1x128xf32, #tpu.memory_space<vmem>>
      %dma_wait3A_69 = arith.constant 0 : i32
      %dma_wait3A_70 = arith.constant 0 : i32
      %dma_wait3A_71 = tpu.memref_slice %arg3[%dma_wait3A_69, %dma_wait3A_70] : memref<250880x128xf32, #tpu.memory_space<hbm>> -> memref<1x128xf32, #tpu.memory_space<hbm>>
      tpu.wait_dma2 semaphore(%arg7 : memref<!tpu.dma_semaphore, #tpu.memory_space<semaphore_mem>>) src(%dma_wait3A_71 : memref<1x128xf32, #tpu.memory_space<hbm>>) dst(%dma_wait3A_68 : memref<1x128xf32, #tpu.memory_space<vmem>>)
      %scan3A_72 = arith.constant 5 : i32
      %scan3A_73 = arith.addi %scan3A_14, %scan3A_72 : i32
      %dma_wait3A_74 = arith.constant 0 : i32
      %dma_wait3A_75 = tpu.memref_slice %arg6[%scan3A_73, %dma_wait3A_74] : memref<512x128xf32, #tpu.memory_space<vmem>> -> memref<1x128xf32, #tpu.memory_space<vmem>>
      %dma_wait3A_76 = arith.constant 0 : i32
      %dma_wait3A_77 = arith.constant 0 : i32
      %dma_wait3A_78 = tpu.memref_slice %arg3[%dma_wait3A_76, %dma_wait3A_77] : memref<250880x128xf32, #tpu.memory_space<hbm>> -> memref<1x128xf32, #tpu.memory_space<hbm>>
      %dma_wait3A_79 = arith.constant 0 : i32
      %dma_wait3A_80 = tpu.memref_slice %arg6[%scan3A_73, %dma_wait3A_79] : memref<512x128xf32, #tpu.memory_space<vmem>> -> memref<1x128xf32, #tpu.memory_space<vmem>>
      %dma_wait3A_81 = arith.constant 0 : i32
      %dma_wait3A_82 = arith.constant 0 : i32
      %dma_wait3A_83 = tpu.memref_slice %arg3[%dma_wait3A_81, %dma_wait3A_82] : memref<250880x128xf32, #tpu.memory_space<hbm>> -> memref<1x128xf32, #tpu.memory_space<hbm>>
      tpu.wait_dma2 semaphore(%arg7 : memref<!tpu.dma_semaphore, #tpu.memory_space<semaphore_mem>>) src(%dma_wait3A_83 : memref<1x128xf32, #tpu.memory_space<hbm>>) dst(%dma_wait3A_80 : memref<1x128xf32, #tpu.memory_space<vmem>>)
      %scan3A_84 = arith.constant 6 : i32
      %scan3A_85 = arith.addi %scan3A_14, %scan3A_84 : i32
      %dma_wait3A_86 = arith.constant 0 : i32
      %dma_wait3A_87 = tpu.memref_slice %arg6[%scan3A_85, %dma_wait3A_86] : memref<512x128xf32, #tpu.memory_space<vmem>> -> memref<1x128xf32, #tpu.memory_space<vmem>>
      %dma_wait3A_88 = arith.constant 0 : i32
      %dma_wait3A_89 = arith.constant 0 : i32
      %dma_wait3A_90 = tpu.memref_slice %arg3[%dma_wait3A_88, %dma_wait3A_89] : memref<250880x128xf32, #tpu.memory_space<hbm>> -> memref<1x128xf32, #tpu.memory_space<hbm>>
      %dma_wait3A_91 = arith.constant 0 : i32
      %dma_wait3A_92 = tpu.memref_slice %arg6[%scan3A_85, %dma_wait3A_91] : memref<512x128xf32, #tpu.memory_space<vmem>> -> memref<1x128xf32, #tpu.memory_space<vmem>>
      %dma_wait3A_93 = arith.constant 0 : i32
      %dma_wait3A_94 = arith.constant 0 : i32
      %dma_wait3A_95 = tpu.memref_slice %arg3[%dma_wait3A_93, %dma_wait3A_94] : memref<250880x128xf32, #tpu.memory_space<hbm>> -> memref<1x128xf32, #tpu.memory_space<hbm>>
      tpu.wait_dma2 semaphore(%arg7 : memref<!tpu.dma_semaphore, #tpu.memory_space<semaphore_mem>>) src(%dma_wait3A_95 : memref<1x128xf32, #tpu.memory_space<hbm>>) dst(%dma_wait3A_92 : memref<1x128xf32, #tpu.memory_space<vmem>>)
      %scan3A_96 = arith.constant 7 : i32
      %scan3A_97 = arith.addi %scan3A_14, %scan3A_96 : i32
      %dma_wait3A_98 = arith.constant 0 : i32
      %dma_wait3A_99 = tpu.memref_slice %arg6[%scan3A_97, %dma_wait3A_98] : memref<512x128xf32, #tpu.memory_space<vmem>> -> memref<1x128xf32, #tpu.memory_space<vmem>>
      %dma_wait3A_100 = arith.constant 0 : i32
      %dma_wait3A_101 = arith.constant 0 : i32
      %dma_wait3A_102 = tpu.memref_slice %arg3[%dma_wait3A_100, %dma_wait3A_101] : memref<250880x128xf32, #tpu.memory_space<hbm>> -> memref<1x128xf32, #tpu.memory_space<hbm>>
      %dma_wait3A_103 = arith.constant 0 : i32
      %dma_wait3A_104 = tpu.memref_slice %arg6[%scan3A_97, %dma_wait3A_103] : memref<512x128xf32, #tpu.memory_space<vmem>> -> memref<1x128xf32, #tpu.memory_space<vmem>>
      %dma_wait3A_105 = arith.constant 0 : i32
      %dma_wait3A_106 = arith.constant 0 : i32
      %dma_wait3A_107 = tpu.memref_slice %arg3[%dma_wait3A_105, %dma_wait3A_106] : memref<250880x128xf32, #tpu.memory_space<hbm>> -> memref<1x128xf32, #tpu.memory_space<hbm>>
      tpu.wait_dma2 semaphore(%arg7 : memref<!tpu.dma_semaphore, #tpu.memory_space<semaphore_mem>>) src(%dma_wait3A_107 : memref<1x128xf32, #tpu.memory_space<hbm>>) dst(%dma_wait3A_104 : memref<1x128xf32, #tpu.memory_space<vmem>>)
    }
    %scan3A_13 = arith.constant 512 : i32
    "tpu.region"() ({
      %run_scoped3A = tpu.sem_alloc : memref<!tpu.dma_semaphore, #tpu.memory_space<semaphore_mem>>
      %dma_start3A = arith.constant 0 : i32
      %dma_start3A_14 = tpu.memref_slice %arg4[%mul3A_2, %dma_start3A] : memref<16384x128xf32, #tpu.memory_space<hbm>> -> memref<512x128xf32, #tpu.memory_space<hbm>>
      %dma_start3A_15 = arith.constant 0 : i32
      %dma_start3A_16 = tpu.memref_slice %arg4[%mul3A_2, %dma_start3A_15] : memref<16384x128xf32, #tpu.memory_space<hbm>> -> memref<512x128xf32, #tpu.memory_space<hbm>>
      tpu.enqueue_dma source(%arg6 : memref<512x128xf32, #tpu.memory_space<vmem>>) target(%dma_start3A_16 : memref<512x128xf32, #tpu.memory_space<hbm>>) target_semaphore(%run_scoped3A : memref<!tpu.dma_semaphore, #tpu.memory_space<semaphore_mem>>)
      %dma_wait3A = arith.constant 0 : i32
      %dma_wait3A_17 = tpu.memref_slice %arg4[%mul3A_2, %dma_wait3A] : memref<16384x128xf32, #tpu.memory_space<hbm>> -> memref<512x128xf32, #tpu.memory_space<hbm>>
      %dma_wait3A_18 = arith.constant 0 : i32
      %dma_wait3A_19 = tpu.memref_slice %arg4[%mul3A_2, %dma_wait3A_18] : memref<16384x128xf32, #tpu.memory_space<hbm>> -> memref<512x128xf32, #tpu.memory_space<hbm>>
      tpu.wait_dma2 semaphore(%run_scoped3A : memref<!tpu.dma_semaphore, #tpu.memory_space<semaphore_mem>>) src(%arg6 : memref<512x128xf32, #tpu.memory_space<vmem>>) dst(%dma_wait3A_19 : memref<512x128xf32, #tpu.memory_space<hbm>>)
      tpu.yield
    }) : () -> ()
    return
  }
}

module attributes {stable_mosaic.version = 14 : i64} {
  func.func @body(%arg0: i32, %arg1: memref<32x12544xf32, #tpu.memory_space<vmem>>, %arg2: memref<32x12544xf32, #tpu.memory_space<vmem>>, %arg3: memref<32x12544xf32, #tpu.memory_space<vmem>>, %arg4: memref<32x12544xf32, #tpu.memory_space<vmem>>, %arg5: memref<128x128xf32, #tpu.memory_space<vmem>>, %arg6: memref<12544x128xf32, #tpu.memory_space<vmem>>) attributes {dimension_semantics = [#tpu.dimension_semantics<arbitrary>], iteration_bounds = array<i64: 20>, scalar_prefetch = 0 : i64, scratch_operands = 0 : i64, tpu.core_type = #tpu.core_type<tc>, window_params = [{transform_indices = @transform_0, window_bounds = array<i64: 32, 12544>}, {transform_indices = @transform_1, window_bounds = array<i64: 32, 12544>}, {transform_indices = @transform_2, window_bounds = array<i64: 32, 12544>}, {transform_indices = @transform_3, window_bounds = array<i64: 32, 12544>}, {pipeline_mode = #tpu.pipeline_mode<synchronous>, transform_indices = @transform_4, window_bounds = array<i64: 128, 128>}, {transform_indices = @transform_5, window_bounds = array<i64: 12544, 128>}]} {
    %get3A = arith.constant 0 : index
    %get3A_0 = arith.constant 0 : index
    %get3A_1 = vector.load %arg1[%get3A, %get3A_0] : memref<32x12544xf32, #tpu.memory_space<vmem>>, vector<32x12544xf32>
    %get3A_2 = arith.constant 0 : index
    %get3A_3 = arith.constant 0 : index
    %get3A_4 = vector.load %arg2[%get3A_2, %get3A_3] : memref<32x12544xf32, #tpu.memory_space<vmem>>, vector<32x12544xf32>
    %get3A_5 = arith.constant 0 : index
    %get3A_6 = arith.constant 0 : index
    %get3A_7 = vector.load %arg3[%get3A_5, %get3A_6] : memref<32x12544xf32, #tpu.memory_space<vmem>>, vector<32x12544xf32>
    %get3A_8 = arith.constant 0 : index
    %get3A_9 = arith.constant 0 : index
    %get3A_10 = vector.load %arg4[%get3A_8, %get3A_9] : memref<32x12544xf32, #tpu.memory_space<vmem>>, vector<32x12544xf32>
    %concatenate3A = tpu.concatenate %get3A_1, %get3A_4, %get3A_7, %get3A_10 in 0 : vector<32x12544xf32>, vector<32x12544xf32>, vector<32x12544xf32>, vector<32x12544xf32> -> vector<128x12544xf32>
    %get3A_11 = arith.constant 0 : index
    %get3A_12 = arith.constant 0 : index
    %get3A_13 = vector.load %arg5[%get3A_11, %get3A_12] : memref<128x128xf32, #tpu.memory_space<vmem>>, vector<128x128xf32>
    %dot_general3A = arith.constant dense<0.000000e+00> : vector<12544x128xf32>
    %dot_general3A_14 = tpu.matmul %concatenate3A, %get3A_13, %dot_general3A {dimension_numbers = #tpu.dot_dimension_numbers<[0], [0], [1], [1], [0, 1, 1, 1], [], []>, transpose_lhs_hint = false} : vector<128x12544xf32>, vector<128x128xf32>, vector<12544x128xf32> -> vector<12544x128xf32>
    %swap3A = arith.constant 0 : index
    %swap3A_15 = arith.constant 0 : index
    %swap3A_16 = vector.load %arg6[%swap3A, %swap3A_15] : memref<12544x128xf32, #tpu.memory_space<vmem>>, vector<12544x128xf32>
    tpu.vector_store %arg6[%swap3A, %swap3A_15], %dot_general3A_14 {strides = array<i32>} : memref<12544x128xf32, #tpu.memory_space<vmem>>, vector<12544x128xf32>,
    return
  }
  func.func @transform_0(%arg0: i32) -> (i32, i32) {
    %add3A = arith.constant 0 : i32
    %add3A_0 = arith.addi %add3A, %arg0 : i32
    %c0_i32 = arith.constant 0 : i32
    %c0_i32_1 = arith.constant 0 : i32
    return %c0_i32, %add3A_0 : i32, i32
  }
  func.func @transform_1(%arg0: i32) -> (i32, i32) {
    %add3A = arith.constant 20 : i32
    %add3A_0 = arith.addi %add3A, %arg0 : i32
    %c0_i32 = arith.constant 0 : i32
    %c0_i32_1 = arith.constant 0 : i32
    return %c0_i32, %add3A_0 : i32, i32
  }
  func.func @transform_2(%arg0: i32) -> (i32, i32) {
    %add3A = arith.constant 40 : i32
    %add3A_0 = arith.addi %add3A, %arg0 : i32
    %c0_i32 = arith.constant 0 : i32
    %c0_i32_1 = arith.constant 0 : i32
    return %c0_i32, %add3A_0 : i32, i32
  }
  func.func @transform_3(%arg0: i32) -> (i32, i32) {
    %add3A = arith.constant 60 : i32
    %add3A_0 = arith.addi %add3A, %arg0 : i32
    %c0_i32 = arith.constant 0 : i32
    %c0_i32_1 = arith.constant 0 : i32
    return %c0_i32, %add3A_0 : i32, i32
  }
  func.func @transform_4(%arg0: i32) -> (i32, i32) {
    %c0_i32 = arith.constant 0 : i32
    %c0_i32_0 = arith.constant 0 : i32
    %c0_i32_1 = arith.constant 0 : i32
    return %c0_i32, %c0_i32_0 : i32, i32
  }
  func.func @transform_5(%arg0: i32) -> (i32, i32) {
    %c0_i32 = arith.constant 0 : i32
    %c0_i32_0 = arith.constant 0 : i32
    return %arg0, %c0_i32 : i32, i32
  }
}

module attributes {stable_mosaic.version = 14 : i64} {
  func.func @_mlp_body(%arg0: i32, %arg1: memref<8192x128xf32, #tpu.memory_space<vmem>>, %arg2: memref<8192x1xi32, #tpu.memory_space<vmem>>, %arg3: memref<32x128xf32, #tpu.memory_space<vmem>>, %arg4: memref<1x128xf32, #tpu.memory_space<vmem>>, %arg5: memref<128x64xf32, #tpu.memory_space<vmem>>, %arg6: memref<1x64xf32, #tpu.memory_space<vmem>>, %arg7: memref<8192x64xf32, #tpu.memory_space<vmem>>) attributes {dimension_semantics = [#tpu.dimension_semantics<arbitrary>], iteration_bounds = array<i64: 2>, scalar_prefetch = 0 : i64, scratch_operands = 0 : i64, tpu.core_type = #tpu.core_type<tc>, window_params = [{transform_indices = @transform_0, window_bounds = array<i64: 8192, 128>}, {transform_indices = @transform_1, window_bounds = array<i64: 8192, 1>}, {pipeline_mode = #tpu.pipeline_mode<synchronous>, transform_indices = @transform_2, window_bounds = array<i64: 32, 128>}, {pipeline_mode = #tpu.pipeline_mode<synchronous>, transform_indices = @transform_3, window_bounds = array<i64: 1, 128>}, {pipeline_mode = #tpu.pipeline_mode<synchronous>, transform_indices = @transform_4, window_bounds = array<i64: 128, 64>}, {pipeline_mode = #tpu.pipeline_mode<synchronous>, transform_indices = @transform_5, window_bounds = array<i64: 1, 64>}, {transform_indices = @transform_6, window_bounds = array<i64: 8192, 64>}]} {
    %get3A = arith.constant 0 : index
    %get3A_0 = arith.constant 0 : index
    %get3A_1 = vector.load %arg1[%get3A, %get3A_0] : memref<8192x128xf32, #tpu.memory_space<vmem>>, vector<8192x128xf32>
    %get3A_2 = arith.constant 0 : index
    %get3A_3 = arith.constant 0 : index
    %get3A_4 = vector.load %arg2[%get3A_2, %get3A_3] : memref<8192x1xi32, #tpu.memory_space<vmem>>, vector<8192x1xi32>
    %eq3A = arith.constant 0 : i32
    %eq3A_5 = vector.broadcast %eq3A : i32 to vector<8192x1xi32>
    %eq3A_6 = arith.cmpi eq, %get3A_4, %eq3A_5 : vector<8192x1xi32>
    %slice3A = vector.extract_strided_slice %get3A_1 {offsets = [0, 0], sizes = [8192, 32], strides = [1, 1]} : vector<8192x128xf32> to vector<8192x32xf32>
    %jit3A = arith.constant 0.000000e+00 : f32
    %broadcast_in_dim3A = vector.shape_cast %eq3A_6 : vector<8192x1xi1> to vector<8192x1xi1>
    %broadcast_in_dim3A_7 = vector.broadcast %broadcast_in_dim3A : vector<8192x1xi1> to vector<8192x32xi1>
    %broadcast_in_dim3A_8 = vector.broadcast %jit3A : f32 to vector<8192x32xf32>
    %select_n3A = arith.select %broadcast_in_dim3A_7, %slice3A, %broadcast_in_dim3A_8 : vector<8192x32xi1>, vector<8192x32xf32>
    %eq3A_9 = arith.constant 1 : i32
    %eq3A_10 = vector.broadcast %eq3A_9 : i32 to vector<8192x1xi32>
    %eq3A_11 = arith.cmpi eq, %get3A_4, %eq3A_10 : vector<8192x1xi32>
    %slice3A_12 = vector.extract_strided_slice %get3A_1 {offsets = [0, 32], sizes = [8192, 32], strides = [1, 1]} : vector<8192x128xf32> to vector<8192x32xf32>
    %broadcast_in_dim3A_13 = vector.shape_cast %eq3A_11 : vector<8192x1xi1> to vector<8192x1xi1>
    %broadcast_in_dim3A_14 = vector.broadcast %broadcast_in_dim3A_13 : vector<8192x1xi1> to vector<8192x32xi1>
    %select_n3A_15 = arith.select %broadcast_in_dim3A_14, %slice3A_12, %select_n3A : vector<8192x32xi1>, vector<8192x32xf32>
    %eq3A_16 = arith.constant 2 : i32
    %eq3A_17 = vector.broadcast %eq3A_16 : i32 to vector<8192x1xi32>
    %eq3A_18 = arith.cmpi eq, %get3A_4, %eq3A_17 : vector<8192x1xi32>
    %slice3A_19 = vector.extract_strided_slice %get3A_1 {offsets = [0, 64], sizes = [8192, 32], strides = [1, 1]} : vector<8192x128xf32> to vector<8192x32xf32>
    %broadcast_in_dim3A_20 = vector.shape_cast %eq3A_18 : vector<8192x1xi1> to vector<8192x1xi1>
    %broadcast_in_dim3A_21 = vector.broadcast %broadcast_in_dim3A_20 : vector<8192x1xi1> to vector<8192x32xi1>
    %select_n3A_22 = arith.select %broadcast_in_dim3A_21, %slice3A_19, %select_n3A_15 : vector<8192x32xi1>, vector<8192x32xf32>
    %eq3A_23 = arith.constant 3 : i32
    %eq3A_24 = vector.broadcast %eq3A_23 : i32 to vector<8192x1xi32>
    %eq3A_25 = arith.cmpi eq, %get3A_4, %eq3A_24 : vector<8192x1xi32>
    %slice3A_26 = vector.extract_strided_slice %get3A_1 {offsets = [0, 96], sizes = [8192, 32], strides = [1, 1]} : vector<8192x128xf32> to vector<8192x32xf32>
    %broadcast_in_dim3A_27 = vector.shape_cast %eq3A_25 : vector<8192x1xi1> to vector<8192x1xi1>
    %broadcast_in_dim3A_28 = vector.broadcast %broadcast_in_dim3A_27 : vector<8192x1xi1> to vector<8192x32xi1>
    %select_n3A_29 = arith.select %broadcast_in_dim3A_28, %slice3A_26, %select_n3A_22 : vector<8192x32xi1>, vector<8192x32xf32>
    %get3A_30 = arith.constant 0 : index
    %get3A_31 = arith.constant 0 : index
    %get3A_32 = vector.load %arg3[%get3A_30, %get3A_31] : memref<32x128xf32, #tpu.memory_space<vmem>>, vector<32x128xf32>
    %dot_general3A = arith.constant dense<0.000000e+00> : vector<8192x128xf32>
    %dot_general3A_33 = tpu.matmul %select_n3A_29, %get3A_32, %dot_general3A {dimension_numbers = #tpu.dot_dimension_numbers<[1], [0], [0], [1], [0, 0, 1, 1], [], []>, transpose_lhs_hint = false} : vector<8192x32xf32>, vector<32x128xf32>, vector<8192x128xf32> -> vector<8192x128xf32>
    %get3A_34 = arith.constant 0 : index
    %get3A_35 = arith.constant 0 : index
    %get3A_36 = vector.load %arg4[%get3A_34, %get3A_35] : memref<1x128xf32, #tpu.memory_space<vmem>>, vector<1x128xf32>
    %add3A = vector.broadcast %get3A_36 : vector<1x128xf32> to vector<8192x128xf32>
    %add3A_37 = arith.addf %dot_general3A_33, %add3A : vector<8192x128xf32>
    %max3A = arith.constant 0.000000e+00 : f32
    %max3A_38 = vector.broadcast %max3A : f32 to vector<8192x128xf32>
    %max3A_39 = arith.maximumf %add3A_37, %max3A_38 : vector<8192x128xf32>
    %get3A_40 = arith.constant 0 : index
    %get3A_41 = arith.constant 0 : index
    %get3A_42 = vector.load %arg5[%get3A_40, %get3A_41] : memref<128x64xf32, #tpu.memory_space<vmem>>, vector<128x64xf32>
    %dot_general3A_43 = arith.constant dense<0.000000e+00> : vector<8192x64xf32>
    %dot_general3A_44 = tpu.matmul %max3A_39, %get3A_42, %dot_general3A_43 {dimension_numbers = #tpu.dot_dimension_numbers<[1], [0], [0], [1], [0, 0, 1, 1], [], []>, transpose_lhs_hint = false} : vector<8192x128xf32>, vector<128x64xf32>, vector<8192x64xf32> -> vector<8192x64xf32>
    %get3A_45 = arith.constant 0 : index
    %get3A_46 = arith.constant 0 : index
    %get3A_47 = vector.load %arg6[%get3A_45, %get3A_46] : memref<1x64xf32, #tpu.memory_space<vmem>>, vector<1x64xf32>
    %add3A_48 = vector.broadcast %get3A_47 : vector<1x64xf32> to vector<8192x64xf32>
    %add3A_49 = arith.addf %dot_general3A_44, %add3A_48 : vector<8192x64xf32>
    %swap3A = arith.constant 0 : index
    %swap3A_50 = arith.constant 0 : index
    %swap3A_51 = vector.load %arg7[%swap3A, %swap3A_50] : memref<8192x64xf32, #tpu.memory_space<vmem>>, vector<8192x64xf32>
    tpu.vector_store %arg7[%swap3A, %swap3A_50], %add3A_49 {strides = array<i32>} : memref<8192x64xf32, #tpu.memory_space<vmem>>, vector<8192x64xf32>,
    return
  }
  func.func @transform_0(%arg0: i32) -> (i32, i32) {
    %c0_i32 = arith.constant 0 : i32
    %c0_i32_0 = arith.constant 0 : i32
    return %arg0, %c0_i32 : i32, i32
  }
  func.func @transform_1(%arg0: i32) -> (i32, i32) {
    %c0_i32 = arith.constant 0 : i32
    %c0_i32_0 = arith.constant 0 : i32
    return %arg0, %c0_i32 : i32, i32
  }
  func.func @transform_2(%arg0: i32) -> (i32, i32) {
    %c0_i32 = arith.constant 0 : i32
    %c0_i32_0 = arith.constant 0 : i32
    %c0_i32_1 = arith.constant 0 : i32
    return %c0_i32, %c0_i32_0 : i32, i32
  }
  func.func @transform_3(%arg0: i32) -> (i32, i32) {
    %c0_i32 = arith.constant 0 : i32
    %c0_i32_0 = arith.constant 0 : i32
    %c0_i32_1 = arith.constant 0 : i32
    return %c0_i32, %c0_i32_0 : i32, i32
  }
  func.func @transform_4(%arg0: i32) -> (i32, i32) {
    %c0_i32 = arith.constant 0 : i32
    %c0_i32_0 = arith.constant 0 : i32
    %c0_i32_1 = arith.constant 0 : i32
    return %c0_i32, %c0_i32_0 : i32, i32
  }
  func.func @transform_5(%arg0: i32) -> (i32, i32) {
    %c0_i32 = arith.constant 0 : i32
    %c0_i32_0 = arith.constant 0 : i32
    %c0_i32_1 = arith.constant 0 : i32
    return %c0_i32, %c0_i32_0 : i32, i32
  }
  func.func @transform_6(%arg0: i32) -> (i32, i32) {
    %c0_i32 = arith.constant 0 : i32
    %c0_i32_0 = arith.constant 0 : i32
    return %arg0, %c0_i32 : i32, i32
  }
}

</mosaic_0001>

<sc_bundles>
// kernel: kernel.5.cloned.1.call-start
scs
__scs_entry_jumppad:
0x0: {  	(pc) =	sbr.rel $0x88, $3  }
0x1: {  	(tag) =	ssettag $0x0;
	lr =	simm.s32 $0x1  }
0x2: {  	[smem:$0x3F9B] =	sst lr;
	_ =	strace $0xD0000000  }
0x3: {  	_ = 	snop  }
0x4: {  	_ = 	snop  }
0x5: {  	_ = 	snop  }
0x6: {  	_ = 	snop  }
0x7: {  	_ = 	snop  }
__scs_overlays_trampoline_lowered:
0x8: {  	[smem:$0x3FAA] =	sst s0  }
0x9: {  	[smem:$0x3FAB] =	sst s1  }
0xa: {  	[smem:$0x3FAC] =	sst s2  }
0xb: {  	[smem:$0x3FAD] =	sst s3  }
0xc: {  	[smem:$0x3FAE] =	sst s4  }
0xd: {  	[smem:$0x3FAF] =	sst s5  }
0xe: {  	[smem:$0x3FB0] =	sst s6  }
0xf: {  	[smem:$0x3FB1] =	sst s7  }
0x10: {  	[smem:$0x3FB2] =	sst s8  }
0x11: {  	[smem:$0x3FB3] =	sst s9;
	s0 =	simm.s32 @!p0 $0x0  }
0x12: {  	s1 =	sld [smem:$0x3F99];
	s0 =	simm.s32 @p0 $0x1  }
0x13: {  	[smem:$0x3FB4] =	sst s0;
	s0 =	simm.s32 @!p1 $0x0  }
0x14: {  	s2 =	sld [smem:$0x3F98];
	s0 =	simm.s32 @p1 $0x1  }
0x15: {  	[smem:$0x3FB5] =	sst s0;
	s0 =	simm.s32 @!p2 $0x0  }
0x16: {  	s3 =	sld [smem:$0x3FDB];
	s0 =	simm.s32 @p2 $0x1  }
0x17: {  	s4 =	simm.s32 $0x1BF5;
	[smem:$0x3FB7] =	sst s0  }
0x18: {  	s0 =	sld [smem:$0x3F9A];
	_ =	swait.ge [sflag:s4], $0x0  }
0x19: {  	s7 =	sld [smem:$0x3F9B]  }
0x1a: {  	s8 =	sadd.s32 $0xFFFFE003, lr  }
0x1b: {  	s9 =	sadd.s32 $0xFFFFFEF7, lr;
	s5 =	simm.s32 $0xFFFFFFFF;
	p2 =	slt.u32 s8, $0xFFFFF086  }
0x1c: {  	p1 =	slt.u32 s9, $0xF7A;
	s5 =	simm.s32 @!p2 $0x0  }
0x1d: {  	s5 =	simm.s32 @p1 $0x1;
	p0 =	seq.s32 s7, s2  }
0x1e: {  	s7 =	smul.u32 @!p0 $0xF7A, s2;
	p2 =	seq.s32 @!p0 s5, $0x0  }
0x1f: {  	s9 =	smul.u32 $0xF7A, s1;
	s8 =	simm.s32 @!p0 $0x1BF5;
	p2 =	por !p2, p0  }
0x20: {  	[sflag:s8] =	ssyncset.s32 @!p0 $0xFFFFF086;
	s6 =	sadd.s32 @!p0 s3, s7;
	s7 =	simm.s32 @!p0 $0x108  }
0x21: {  	s3 =	sadd.s32 s3, s9;
	s6 =	sadd.s32 @!p0 $0x88, s6;
	s7 =	simm.s32 @p2 $0x1082  }
0x22: {  	[simem:s7], [sflag:s8] =	dma.local @!p0 [hbm:s6], $0xF7A  }
0x23: {  	s9 =	sor.u32 $0xD0000000, s2;
	s6 =	simm.s32 $0x108;
	_ =	swait.ge @!p0 [sflag:s8], $0x0  }
0x24: {  	s3 =	sadd.s32 $0x88, s3;
	s6 =	simm.s32 @!p1 $0x1082;
	[sflag:s4] =	ssyncset.s32 $0xFFFFF086  }
0x25: {  	[simem:s6], [sflag:s4] =	dma.local [hbm:s3], $0xF7A  }
0x26: {  	[smem:$0x3F9B] =	sst s1;
	(tag) =	ssettag s2;
	_ =	strace s9  }
0x27: {  	s1 =	sld [smem:$0x3FAB]  }
0x28: {  	s2 =	sld [smem:$0x3FAC]  }
0x29: {  	s4 =	sld [smem:$0x3FAE]  }
0x2a: {  	p0 =	seq.s32 s5, $0x0;
	s5 =	sld [smem:$0x3FAF]  }
0x2b: {  	s6 =	sld [smem:$0x3FB0]  }
0x2c: {  	s7 =	sld [smem:$0x3FB1]  }
0x2d: {  	s3 =	simm.s32 $0x108;
	s8 =	sld [smem:$0x3FB2]  }
0x2e: {  	s3 =	simm.s32 @!p0 $0x1082;
	s9 =	sld [smem:$0x3FB3]  }
0x2f: {  	lr =	sadd.s32 s0, s3;
	s0 =	sld [smem:$0x3FAA]  }
0x30: {  	s3 =	sld [smem:$0x3FAD]  }
0x31: {  	[smem:$0x3FB6] =	sst s10  }
0x32: {  	s10 =	sld [smem:$0x3FB4];
	_ =	sdelay $0x3  }
0x33: {  	p0 =	seq.s32 s10, $0x1;
	s10 =	sld [smem:$0x3FB6];
	_ =	sdelay $0x3  }
0x34: {  	[smem:$0x3FB6] =	sst s10  }
0x35: {  	s10 =	sld [smem:$0x3FB5];
	_ =	sdelay $0x3  }
0x36: {  	p1 =	seq.s32 s10, $0x1;
	s10 =	sld [smem:$0x3FB6];
	_ =	sdelay $0x3  }
0x37: {  	[smem:$0x3FB6] =	sst s10  }
0x38: {  	s10 =	sld [smem:$0x3FB7]  }
0x39: {  	_ = 	snop;
	(pc) =	sbr.ind lr, $3  }
0x3a: {  	_ = 	snop  }
0x3b: {  	_ = 	snop  }
0x3c: {  	p2 =	seq.s32 s10, $0x1;
	s10 =	sld [smem:$0x3FB6]  }
0x3d: {  	_ =	shalt  }
0x3e: {  	_ =	shalt  }
0x3f: {  	_ =	shalt  }
0x40: {  	_ =	shalt  }
0x41: {  	_ =	shalt  }
0x42: {  	_ =	shalt  }
0x43: {  	_ =	shalt  }
0x44: {  	_ =	shalt  }
0x45: {  	_ =	shalt  }
0x46: {  	_ =	shalt  }
0x47: {  	_ =	shalt  }
0x48: {  	_ =	shalt  }
0x49: {  	_ =	shalt  }
0x4a: {  	_ =	shalt  }
0x4b: {  	_ =	shalt  }
0x4c: {  	_ =	shalt  }
0x4d: {  	_ =	shalt  }
0x4e: {  	_ =	shalt  }
0x4f: {  	_ =	shalt  }
0x50: {  	_ =	shalt  }
0x51: {  	_ =	shalt  }
0x52: {  	_ =	shalt  }
0x53: {  	_ =	shalt  }
0x54: {  	_ =	shalt  }
0x55: {  	_ =	shalt  }
0x56: {  	_ =	shalt  }
0x57: {  	_ =	shalt  }
0x58: {  	_ =	shalt  }
0x59: {  	_ =	shalt  }
0x5a: {  	_ =	shalt  }
0x5b: {  	_ =	shalt  }
0x5c: {  	_ =	shalt  }
0x5d: {  	_ =	shalt  }
0x5e: {  	_ =	shalt  }
0x5f: {  	_ =	shalt  }
0x60: {  	_ =	shalt  }
0x61: {  	_ =	shalt  }
0x62: {  	_ =	shalt  }
0x63: {  	_ =	shalt  }
0x64: {  	_ =	shalt  }
0x65: {  	_ =	shalt  }
0x66: {  	_ =	shalt  }
0x67: {  	_ =	shalt  }
0x68: {  	_ =	shalt  }
0x69: {  	_ =	shalt  }
0x6a: {  	_ =	shalt  }
0x6b: {  	_ =	shalt  }
0x6c: {  	_ =	shalt  }
0x6d: {  	_ =	shalt  }
0x6e: {  	_ =	shalt  }
0x6f: {  	_ =	shalt  }
0x70: {  	_ =	shalt  }
0x71: {  	_ =	shalt  }
0x72: {  	_ =	shalt  }
0x73: {  	_ =	shalt  }
0x74: {  	_ =	shalt  }
0x75: {  	_ =	shalt  }
0x76: {  	_ =	shalt  }
0x77: {  	_ =	shalt  }
0x78: {  	_ =	shalt  }
0x79: {  	_ =	shalt  }
0x7a: {  	_ =	shalt  }
0x7b: {  	_ =	shalt  }
0x7c: {  	_ =	shalt  }
0x7d: {  	_ =	shalt  }
0x7e: {  	_ =	shalt  }
0x7f: {  	_ =	shalt  }
0x80: {  	_ =	shalt  }
0x81: {  	_ =	shalt  }
0x82: {  	_ =	shalt  }
0x83: {  	_ =	shalt  }
0x84: {  	_ =	shalt  }
0x85: {  	_ =	shalt  }
0x86: {  	_ =	shalt  }
0x87: {  	_ =	shalt  }
.Lfunc_end0:
.L_simem_size_0:
called_computation_lowered:
.L_overlay_start_0:
0x88: {  	s2 =	sld [smem:$0x3FD9]  }
0x89: {  	s3 =	sld [smem:$0x3FFE];
	_ =	sdelay $0x1  }
0x8a: {  	s1 =	srdreg.scid  }
0x8b: {  	s0 =	sand.u32 $0x1, s1  }
0x8c: {  	s16 =	sshll.u32 s0, $0xA;
	s2 =	sadd.s32 s3, s2  }
0x8d: {  	s2 =	sadd.s32 s2, s16  }
0x8e: {  	[smem:$0x3FC2] =	sst s2  }
0x8f: {  	_ = 	snop  }
0x90: {  	(tm) =	ssettm $0x1  }
0x91: {  	s17 =	sld [smem:$0x3FFB];
	_ =	sdelay $0x3  }
0x92: {  	_ =	strace s17  }
0x93: {  	s2 =	sld [smem:$0x3FFC];
	_ =	sdelay $0x3  }
0x94: {  	_ =	strace s2  }
0x95: {  	s2 =	sld [smem:$0x3FFD];
	_ =	sdelay $0x3  }
0x96: {  	_ =	strace s2  }
0x97: {  	_ =	strace $0x8FFFFFFF  }
0x98: {  	s18 =	sld [smem:$0x3FDB];
	_ =	sdelay $0x1  }
0x99: {  	s19 =	simm.s32 $_scs_section_size  }
0x9a: {  	s4 =	simm.s32 $_size__tile_overlayer_lowered;
	s5 =	simm.s32 $_tile_overlayer_lowered  }
0x9b: {  	s22 =	simm.s32 $0x1BFF;
	s21 =	sshll.u32 s5, $0x1;
	s2 =	sadd.s32 s19, s18  }
0x9c: {  	s6 =	simm.s32 $0x0;
	s20 =	sshll.u32 s4, $0x1;
	s4 =	sadd.s32 s21, s2  }
0x9d: {  	[timem:s6], [sflag:s22] =	dma.local [hbm:s4], s20  }
0x9e: {  	_ =	swait.ge [sflag:s22], s20  }
0x9f: {  	s3 =	ssub.s32 $0x0, s20;
	[sflag:s22] =	ssyncset.done $0x0  }
0xa0: {  	[sflag:s22] =	ssyncadd.s32 s3;
	_ =	sdelay $0x1  }
0xa1: {  	s23 =	simm.s32 $0x1B8B  }
0xa2: {  	_ =	swait.ge [sflag:s23], $0x1  }
0xa3: {  	[sflag:s23] =	ssyncset.done $0x0  }
0xa4: {  	s25 =	simm.s32 $0x1B8E;
	s24 =	sld [smem:$0x3FFE];
	[sflag:s23] =	ssyncadd.s32 $0xFFFFFFFF  }
0xa5: {  	s26 =	simm.s32 $execute0_lowered;
	[smem:$0x3FD2] =	sst s25  }
0xa6: {  	s4 =	sshll.u32 s26, $0x1;
	_ =	strace $0x80000046;
	[dreg:$0x1] =	wrdreg $0xFFFFFFFF  }
0xa7: {  	s28 =	simm.s32 $_size_execute0_lowered;
	s2 =	sadd.s32 s2, s4;
	[dreg:$0x0] =	wrdreg $0x0  }
0xa8: {  	s4 =	sshll.u32 s28, $0x1;
	[dreg:$0x2] =	wrdreg s2  }
0xa9: {  	[dreg:$0x3] =	wrdreg s4  }
0xaa: {  	[dreg:$0x4] =	wrdreg $0xC0  }
0xab: {  	_ =	task [dreg:s6], $0x5FFFF  }
0xac: {  	[dreg:$0x1] =	wrdreg $0xFFFFFFFF  }
0xad: {  	[dreg:$0x0] =	wrdreg $0x60  }
0xae: {  	[dreg:$0x2] =	wrdreg s24  }
0xaf: {  	[dreg:$0x3] =	wrdreg $0x9  }
0xb0: {  	_ =	task.clear_ibuf [dreg:s6], $0x4FFFF;
	_ =	strace $0x90000046  }
0xb1: {  	s29 =	simm.s32 $0x9;
	_ =	strace $0x80000048  }
0xb2: {  	_ =	swait.ge [sflag:s29], $0x1  }
0xb3: {  	[sflag:s29] =	ssyncadd.s32 $0xFFFFFFFF  }
0xb4: {  	_ =	strace $0x90000048  }
0xb5: {  	_ =	sfence  }
0xb6: {  	s30 =	sld [smem:$0x0];
	_ =	sdelay $0x2  }
0xb7: {  	s31 =	sshll.u32 s1, $0xD;
	s1 =	sshrl.u32 s1, $0x2  }
0xb8: {  	s3 =	sand.u32 $0x4000, s31;
	s1 =	sadd.s32 s1, s30  }
0xb9: {  	s0 =	sor.u32 s3, s0;
	s1 =	sshll.u32 s1, $0x11  }
0xba: {  	s0 =	sor.u32 s1, s0  }
0xbb: {  	s0 =	sadd.s32 $0x8F2B, s0  }
0xbc: {  	[sflag:s0] =	ssyncadd.remote.s32 $0x1  }
0xbd: {  	_ =	sfence.sel $0xFFFF  }
0xbe: {  	[dreg:$0x0] =	wrdreg $0xFFFFFFFF;
	(pc) =	sbr.abs _section_cstart, $3  }
0xbf: {  	[dreg:$0x1] =	wrdreg $0xFFFFFFFF  }
0xc0: {  	_ =	task.clear_ibuf [dreg:s6], $0x2FFFF;
	_ =	strace $0x9FFFFFFF  }
0xc1: {  	(tm) =	ssettm $0x7FFFFFFF  }
tec
execute0_lowered:
.L_overlay_start_1:
0x0: {  	(tag) =	ssettag $0x1  }
0x1: {  	s1 =	srdreg.scid;
	s0 =	stileid.u32  }
0x2: {  	s4 =	rddreg [dreg:$0x0];
	s2 =	simm.s32 $0x0;
	s9 =	simm.s32 $0x200  }
0x3: {  	s10 =	simm.s32 $0x0;
	s3 =	sand.u32 $0x1, s1;
	s1 =	rddreg [dreg:$0x1]  }
0x4: {  	s5 =	sshll.u32 s0, $0xA;
	[smem:$0x7FF] =	sst s2;
	s6 =	sshll.u32 s3, $0x9  }
0x5: {  	_ =	strace $0x80000047;
	s7 =	ssub.s32 $0x2, s3;
	s5 =	sor.u32 s6, s5  }
0x6: {  	s3 =	sadd.s32 $0x1A00, s4;
	s8 =	sshrl.u32 s7, $0x1;
	s6 =	sshrl.u32 s5, $0x3  }
0x7: {  	s5 =	sshll.u32 s5, $0x4;
	s7 =	ssub.s32 s7, s8;
	s6 =	sadd.s32 s6, s4  }
0x8: {  	s8 =	simm.s32 $0x1;
	s5 =	sadd.s32 s5, s4;
	s4 =	sadd.s32 $0x1200, s6  }
0x9: {  	s5 =	sadd.s32 $0x3D5A00, s5;
	s6 =	smax.u32 s7, $0x1;
	s7 =	simm.s32 $0x2  }
.LBB2_1:
0xa: {  	[tilespmem:s2], [sflag:$0x2] =	stream.linear.gather [hbm4b:s4+s2], $0x200, $0x38;
	[tilespmem:$0x10200] =	vst v63  }
0xb: {  	_ =	swait.ge [sflag:s7], $0x200  }
0xc: {  	[sflag:s7] =	ssyncset.done $0x0  }
0xd: {  	[sflag:s7] =	ssyncadd.s32 $0xFFFFFE00  }
0xe: {  	v0 =	vld [tilespmem:s2+$0x0];
	_ =	sdelay $0x4  }
0xf: {  	v0 =	vshll.u32 v0, $0x4  }
0x10: {  	(v2sf) =	vpush v0, $0x0  }
0x11: {  	(v2sf) =	vpush v0, $0x1  }
0x12: {  	(v2sf) =	vpush v0, $0x2;
	_ =	sdelay $0x1  }
0x13: {  	(v2sf) =	vpush v0, $0x4;
	_ =	sdelay $0x1  }
0x14: {  	(v2sf) =	vpush v0, $0x3  }
0x15: {  	(v2sf) =	vpush v0, $0x5  }
0x16: {  	s12 =	simm.s32 $0x2000;
	s11 =	simm.s32 $0x0;
	s13 =	simm.s32 $0x0;
	(v2sf) =	vpush v0, $0x6  }
.LBB2_2:
0x17: {  	p0 =	sne.s32 s12, $0x3E000  }
0x18: {  	s23 =	sadd.s32 $0x280, s11;
	s17 =	sadd.s32 $0x780, s11;
	s14 =	smov.u32 s12  }
0x19: {  	s12 =	sadd.s32 $0x2000, s12;
	s20 =	sadd.s32 $0x580, s11;
	s15 =	sadd.s32 $0x800, s11;
	(v2sf) =	vpush v0, $0x7  }
0x1a: {  	s22 =	sadd.s32 $0x480, s11;
	s19 =	sadd.s32 $0x600, s11;
	s16 =	sadd.s32 $0x880, s11  }
0x1b: {  	s24 =	sadd.s32 $0x200, s11;
	s25 =	sadd.s32 $0x400, s11;
	(v2sf) =	vpush v0, $0x8  }
0x1c: {  	s26 =	sadd.s32 $0x500, s11;
	s13 =	sadd.s32 $0x10, s13  }
0x1d: {  	s28 =	sadd.s32 $0x300, s11;
	s18 =	sadd.s32 $0x700, s11;
	s21 =	spop (v2sf);
	(v2sf) =	vpush v0, $0x9  }
0x1e: {  	s29 =	sand.u32 $0x1FFFFFF0, s21;
	s21 =	sadd.s32 $0x680, s11;
	s30 =	spop (v2sf)  }
0x1f: {  	s29 =	sadd.s32 s3, s29;
	s30 =	sand.u32 $0x1FFFFFF0, s30;
	s31 =	spop (v2sf);
	(v2sf) =	vpush v0, $0xA  }
0x20: {  	[tilespmem:s24], [sflag:$0x1] =	stream.linear.gather [hbm4b:s29+s2], $0x80, $0x38;
	[tilespmem:$0x10200] =	vst v63  }
0x21: {  	s24 =	sadd.s32 s3, s30;
	s29 =	sadd.s32 $0x380, s11;
	s30 =	spop (v2sf);
	(v2sf) =	vpush v0, $0xB  }
0x22: {  	[tilespmem:s23], [sflag:$0x1] =	stream.linear.gather [hbm4b:s24+s2], $0x80, $0x38;
	[tilespmem:$0x10200] =	vst v63  }
0x23: {  	s23 =	sand.u32 $0x1FFFFFF0, s31;
	s24 =	sand.u32 $0x1FFFFFF0, s30;
	s30 =	spop (v2sf);
	(v2sf) =	vpush v0, $0xC  }
0x24: {  	s23 =	sadd.s32 s3, s23;
	s30 =	sand.u32 $0x1FFFFFF0, s30;
	s31 =	spop (v2sf)  }
0x25: {  	[tilespmem:s28], [sflag:$0x1] =	stream.linear.gather [hbm4b:s23+s2], $0x80, $0x38;
	(v2sf) =	vpush v0, $0xD;
	[tilespmem:$0x10200] =	vst v63  }
0x26: {  	s23 =	sadd.s32 s3, s30;
	s28 =	sand.u32 $0x1FFFFFF0, s31;
	s30 =	spop (v2sf)  }
0x27: {  	[tilespmem:s29], [sflag:$0x1] =	stream.linear.gather [hbm4b:s23+s2], $0x80, $0x38;
	(v2sf) =	vpush v0, $0xE;
	[tilespmem:$0x10200] =	vst v63  }
0x28: {  	s23 =	sadd.s32 s3, s24;
	s24 =	sand.u32 $0x1FFFFFF0, s30;
	s29 =	spop (v2sf)  }
0x29: {  	[tilespmem:s25], [sflag:$0x1] =	stream.linear.gather [hbm4b:s23+s2], $0x80, $0x38;
	(v2sf) =	vpush v0, $0xF;
	[tilespmem:$0x10200] =	vst v63  }
0x2a: {  	s23 =	sadd.s32 s3, s28;
	s25 =	sand.u32 $0x1FFFFFF0, s29;
	s28 =	spop (v2sf)  }
0x2b: {  	[tilespmem:s22], [sflag:$0x1] =	stream.linear.gather [hbm4b:s23+s2], $0x80, $0x38;
	[tilespmem:$0x10200] =	vst v63  }
0x2c: {  	s22 =	sadd.s32 s3, s24;
	s23 =	sand.u32 $0x1FFFFFF0, s28;
	s24 =	spop (v2sf)  }
0x2d: {  	[tilespmem:s26], [sflag:$0x1] =	stream.linear.gather [hbm4b:s22+s2], $0x80, $0x38;
	[tilespmem:$0x10200] =	vst v63  }
0x2e: {  	s22 =	sadd.s32 s3, s25;
	s24 =	sand.u32 $0x1FFFFFF0, s24;
	s25 =	spop (v2sf)  }
0x2f: {  	[tilespmem:s20], [sflag:$0x1] =	stream.linear.gather [hbm4b:s22+s2], $0x80, $0x38;
	[tilespmem:$0x10200] =	vst v63  }
0x30: {  	s20 =	sadd.s32 s3, s23;
	s22 =	sand.u32 $0x1FFFFFF0, s25;
	s23 =	spop (v2sf)  }
0x31: {  	[tilespmem:s19], [sflag:$0x1] =	stream.linear.gather [hbm4b:s20+s2], $0x80, $0x38;
	[tilespmem:$0x10200] =	vst v63  }
0x32: {  	s19 =	sadd.s32 s3, s24;
	s20 =	sand.u32 $0x1FFFFFF0, s23;
	s23 =	spop (v2sf)  }
0x33: {  	[tilespmem:s21], [sflag:$0x1] =	stream.linear.gather [hbm4b:s19+s2], $0x80, $0x38;
	[tilespmem:$0x10200] =	vst v63  }
0x34: {  	s19 =	sadd.s32 s3, s22;
	s21 =	sand.u32 $0x1FFFFFF0, s23;
	s22 =	spop (v2sf)  }
0x35: {  	[tilespmem:s18], [sflag:$0x1] =	stream.linear.gather [hbm4b:s19+s2], $0x80, $0x38;
	[tilespmem:$0x10200] =	vst v63  }
0x36: {  	s18 =	sadd.s32 s3, s20;
	s19 =	sand.u32 $0x1FFFFFF0, s22;
	s20 =	spop (v2sf)  }
0x37: {  	[tilespmem:s17], [sflag:$0x1] =	stream.linear.gather [hbm4b:s18+s2], $0x80, $0x38;
	[tilespmem:$0x10200] =	vst v63  }
0x38: {  	s17 =	sadd.s32 s3, s21;
	s18 =	sand.u32 $0x1FFFFFF0, s20;
	s20 =	spop (v2sf)  }
0x39: {  	[tilespmem:s15], [sflag:$0x1] =	stream.linear.gather [hbm4b:s17+s2], $0x80, $0x38;
	[tilespmem:$0x10200] =	vst v63  }
0x3a: {  	s15 =	sadd.s32 s3, s19;
	s17 =	sand.u32 $0x1FFFFFF0, s20  }
0x3b: {  	[tilespmem:s16], [sflag:$0x1] =	stream.linear.gather [hbm4b:s15+s2], $0x80, $0x38;
	[tilespmem:$0x10200] =	vst v63  }
0x3c: {  	s15 =	sadd.s32 $0x900, s11;
	s16 =	sadd.s32 s3, s18  }
0x3d: {  	[tilespmem:s15], [sflag:$0x1] =	stream.linear.gather [hbm4b:s16+s2], $0x80, $0x38;
	[tilespmem:$0x10200] =	vst v63  }
0x3e: {  	s11 =	sadd.s32 $0x980, s11;
	s15 =	sadd.s32 s3, s17  }
0x3f: {  	[tilespmem:s11], [sflag:$0x1] =	stream.linear.gather [hbm4b:s15+s2], $0x80, $0x38;
	[tilespmem:$0x10200] =	vst v63  }
0x40: {  	v0 =	vld [tilespmem:s13+$0x0];
	_ =	sdelay $0x4  }
0x41: {  	v0 =	vshll.u32 v0, $0x4  }
0x42: {  	(v2sf) =	vpush v0, $0x0  }
0x43: {  	(v2sf) =	vpush v0, $0x1  }
0x44: {  	(v2sf) =	vpush v0, $0x2;
	_ =	sdelay $0x1  }
0x45: {  	(v2sf) =	vpush v0, $0x4  }
.Ltmp0:
0x46: {  	(pc) =	sbr.rel @p0 .LBB2_2-.Ltmp0, $3  }
0x47: {  	(v2sf) =	vpush v0, $0x3  }
0x48: {  	(v2sf) =	vpush v0, $0x5;
	_ =	sdelay $0x1  }
0x49: {  	s11 =	sshra.s32 s14, $0x2;
	(v2sf) =	vpush v0, $0x6  }
0x4a: {  	_ =	sdelay $0x1  }
0x4b: {  	s15 =	sadd.s32 $0x280, s11;
	s14 =	sadd.s32 $0x780, s11  }
0x4c: {  	s16 =	sadd.s32 $0x580, s11;
	s12 =	sadd.s32 $0x800, s11;
	(v2sf) =	vpush v0, $0x7;
	s17 =	sadd.s32 $0x480, s11  }
0x4d: {  	s18 =	sadd.s32 $0x600, s11;
	s13 =	sadd.s32 $0x880, s11;
	s19 =	sadd.s32 $0x200, s11  }
0x4e: {  	s20 =	sadd.s32 $0x400, s11;
	s21 =	sadd.s32 $0x500, s11;
	(v2sf) =	vpush v0, $0x8;
	s22 =	spop (v2sf)  }
0x4f: {  	s23 =	sadd.s32 $0x300, s11;
	s22 =	sand.u32 $0x1FFFFFF0, s22;
	s24 =	spop (v2sf)  }
0x50: {  	(v2sf) =	vpush v0, $0x9;
	s22 =	sadd.s32 s3, s22;
	s24 =	sand.u32 $0x1FFFFFF0, s24;
	s25 =	spop (v2sf)  }
0x51: {  	[tilespmem:s19], [sflag:$0x1] =	stream.linear.gather [hbm4b:s22+s2], $0x80, $0x38;
	[tilespmem:$0x10200] =	vst v63  }
0x52: {  	s26 =	sadd.s32 $0x380, s11;
	(v2sf) =	vpush v0, $0xA;
	s30 =	sadd.s32 s3, s24;
	s31 =	spop (v2sf)  }
0x53: {  	[tilespmem:s15], [sflag:$0x1] =	stream.linear.gather [hbm4b:s30+s2], $0x80, $0x38;
	[tilespmem:$0x10200] =	vst v63  }
0x54: {  	s19 =	sadd.s32 $0x700, s11;
	s28 =	sand.u32 $0x1FFFFFF0, s25;
	(v2sf) =	vpush v0, $0xB;
	s29 =	spop (v2sf)  }
0x55: {  	s22 =	sadd.s32 s3, s28;
	s15 =	sadd.s32 $0x680, s11;
	s25 =	sand.u32 $0x1FFFFFF0, s29  }
0x56: {  	(v2sf) =	vpush v0, $0xC;
	[tilespmem:s23], [sflag:$0x1] =	stream.linear.gather [hbm4b:s22+s2], $0x80, $0x38;
	[tilespmem:$0x10200] =	vst v63  }
0x57: {  	s30 =	sand.u32 $0x1FFFFFF0, s31;
	s31 =	spop (v2sf);
	s28 =	sadd.s32 s3, s25  }
0x58: {  	(v2sf) =	vpush v0, $0xD;
	[tilespmem:s26], [sflag:$0x1] =	stream.linear.gather [hbm4b:s28+s2], $0x80, $0x38;
	[tilespmem:$0x10200] =	vst v63  }
0x59: {  	s22 =	sadd.s32 s3, s30;
	s23 =	sand.u32 $0x1FFFFFF0, s31;
	s29 =	spop (v2sf)  }
0x5a: {  	(v2sf) =	vpush v0, $0xE;
	[tilespmem:s20], [sflag:$0x1] =	stream.linear.gather [hbm4b:s22+s2], $0x80, $0x38;
	[tilespmem:$0x10200] =	vst v63  }
0x5b: {  	s23 =	sadd.s32 s3, s23;
	s30 =	sand.u32 $0x1FFFFFF0, s29;
	s31 =	spop (v2sf)  }
0x5c: {  	(v2sf) =	vpush v0, $0xF;
	[tilespmem:s17], [sflag:$0x1] =	stream.linear.gather [hbm4b:s23+s2], $0x80, $0x38;
	[tilespmem:$0x10200] =	vst v63  }
0x5d: {  	s24 =	sand.u32 $0x1FFFFFF0, s31;
	s25 =	spop (v2sf);
	s20 =	sadd.s32 s3, s30  }
0x5e: {  	[tilespmem:s21], [sflag:$0x1] =	stream.linear.gather [hbm4b:s20+s2], $0x80, $0x38;
	[tilespmem:$0x10200] =	vst v63  }
0x5f: {  	s26 =	sand.u32 $0x1FFFFFF0, s25;
	s17 =	sadd.s32 s3, s24;
	s28 =	spop (v2sf)  }
0x60: {  	[tilespmem:s16], [sflag:$0x1] =	stream.linear.gather [hbm4b:s17+s2], $0x80, $0x38;
	[tilespmem:$0x10200] =	vst v63  }
0x61: {  	s20 =	sadd.s32 s3, s26;
	s29 =	sand.u32 $0x1FFFFFF0, s28;
	s30 =	spop (v2sf)  }
0x62: {  	[tilespmem:s18], [sflag:$0x1] =	stream.linear.gather [hbm4b:s20+s2], $0x80, $0x38;
	[tilespmem:$0x10200] =	vst v63  }
0x63: {  	s17 =	sand.u32 $0x1FFFFFF0, s30;
	s16 =	sadd.s32 s3, s29;
	s31 =	spop (v2sf)  }
0x64: {  	[tilespmem:s15], [sflag:$0x1] =	stream.linear.gather [hbm4b:s16+s2], $0x80, $0x38;
	[tilespmem:$0x10200] =	vst v63  }
0x65: {  	s17 =	sadd.s32 s3, s17;
	s20 =	sand.u32 $0x1FFFFFF0, s31;
	s21 =	spop (v2sf)  }
0x66: {  	[tilespmem:s19], [sflag:$0x1] =	stream.linear.gather [hbm4b:s17+s2], $0x80, $0x38;
	[tilespmem:$0x10200] =	vst v63  }
0x67: {  	s15 =	sadd.s32 s3, s20;
	s16 =	sand.u32 $0x1FFFFFF0, s21;
	s22 =	spop (v2sf)  }
0x68: {  	[tilespmem:s14], [sflag:$0x1] =	stream.linear.gather [hbm4b:s15+s2], $0x80, $0x38;
	[tilespmem:$0x10200] =	vst v63  }
0x69: {  	s23 =	sand.u32 $0x1FFFFFF0, s22;
	s16 =	sadd.s32 s3, s16;
	s24 =	spop (v2sf)  }
0x6a: {  	[tilespmem:s12], [sflag:$0x1] =	stream.linear.gather [hbm4b:s16+s2], $0x80, $0x38;
	[tilespmem:$0x10200] =	vst v63  }
0x6b: {  	s25 =	sand.u32 $0x1FFFFFF0, s24;
	s26 =	spop (v2sf);
	s14 =	sadd.s32 s3, s23  }
0x6c: {  	[tilespmem:s13], [sflag:$0x1] =	stream.linear.gather [hbm4b:s14+s2], $0x80, $0x38;
	[tilespmem:$0x10200] =	vst v63  }
0x6d: {  	s29 =	sadd.s32 $0x900, s11;
	s28 =	sand.u32 $0x1FFFFFF0, s26;
	s12 =	sadd.s32 s3, s25  }
0x6e: {  	[tilespmem:s29], [sflag:$0x1] =	stream.linear.gather [hbm4b:s12+s2], $0x80, $0x38;
	[tilespmem:$0x10200] =	vst v63  }
0x6f: {  	s30 =	sadd.s32 $0x980, s11;
	s31 =	sadd.s32 s3, s28  }
0x70: {  	[tilespmem:s30], [sflag:$0x1] =	stream.linear.gather [hbm4b:s31+s2], $0x80, $0x38;
	[tilespmem:$0x10200] =	vst v63  }
0x71: {  	_ =	swait.ge [sflag:s8], $0x80  }
0x72: {  	[sflag:s8] =	ssyncset.done $0x0  }
0x73: {  	[sflag:s8] =	ssyncadd.s32 $0xFFFFFF80  }
0x74: {  	_ =	swait.ge [sflag:s8], $0x80  }
0x75: {  	[sflag:s8] =	ssyncset.done $0x0  }
0x76: {  	[sflag:s8] =	ssyncadd.s32 $0xFFFFFF80  }
0x77: {  	_ =	swait.ge [sflag:s8], $0x80  }
0x78: {  	[sflag:s8] =	ssyncset.done $0x0  }
0x79: {  	[sflag:s8] =	ssyncadd.s32 $0xFFFFFF80  }
0x7a: {  	_ =	swait.ge [sflag:s8], $0x80  }
0x7b: {  	[sflag:s8] =	ssyncset.done $0x0  }
0x7c: {  	[sflag:s8] =	ssyncadd.s32 $0xFFFFFF80  }
0x7d: {  	_ =	swait.ge [sflag:s8], $0x80  }
0x7e: {  	[sflag:s8] =	ssyncset.done $0x0  }
0x7f: {  	[sflag:s8] =	ssyncadd.s32 $0xFFFFFF80  }
0x80: {  	_ =	swait.ge [sflag:s8], $0x80  }
0x81: {  	[sflag:s8] =	ssyncset.done $0x0  }
0x82: {  	[sflag:s8] =	ssyncadd.s32 $0xFFFFFF80  }
0x83: {  	_ =	swait.ge [sflag:s8], $0x80  }
0x84: {  	[sflag:s8] =	ssyncset.done $0x0  }
0x85: {  	[sflag:s8] =	ssyncadd.s32 $0xFFFFFF80  }
0x86: {  	_ =	swait.ge [sflag:s8], $0x80  }
0x87: {  	s11 =	simm.s32 $0x0;
	[sflag:s8] =	ssyncset.done $0x0  }
.LBB2_4:
0x88: {  	s11 =	sadd.s32 $0x8, s11;
	[sflag:s8] =	ssyncadd.s32 $0xFFFFFF80  }
0x89: {  	_ =	swait.ge [sflag:s8], $0x80;
	p0 =	slt.u32 s11, $0x1F8  }
0x8a: {  	[sflag:s8] =	ssyncset.done $0x0  }
0x8b: {  	[sflag:s8] =	ssyncadd.s32 $0xFFFFFF80  }
0x8c: {  	_ =	swait.ge [sflag:s8], $0x80  }
0x8d: {  	[sflag:s8] =	ssyncset.done $0x0  }
0x8e: {  	[sflag:s8] =	ssyncadd.s32 $0xFFFFFF80  }
0x8f: {  	_ =	swait.ge [sflag:s8], $0x80  }
0x90: {  	[sflag:s8] =	ssyncset.done $0x0  }
0x91: {  	[sflag:s8] =	ssyncadd.s32 $0xFFFFFF80  }
0x92: {  	_ =	swait.ge [sflag:s8], $0x80  }
0x93: {  	[sflag:s8] =	ssyncset.done $0x0  }
0x94: {  	[sflag:s8] =	ssyncadd.s32 $0xFFFFFF80  }
0x95: {  	_ =	swait.ge [sflag:s8], $0x80  }
0x96: {  	[sflag:s8] =	ssyncset.done $0x0  }
0x97: {  	[sflag:s8] =	ssyncadd.s32 $0xFFFFFF80  }
0x98: {  	_ =	swait.ge [sflag:s8], $0x80  }
0x99: {  	[sflag:s8] =	ssyncset.done $0x0  }
0x9a: {  	[sflag:s8] =	ssyncadd.s32 $0xFFFFFF80  }
.Ltmp1:
0x9b: {  	_ =	swait.ge [sflag:s8], $0x80;
	(pc) =	sbr.rel @p0 .LBB2_4-.Ltmp1, $4  }
0x9c: {  	[sflag:s8] =	ssyncset.done $0x0  }
0x9d: {  	[sflag:s8] =	ssyncadd.s32 $0xFFFFFF80  }
0x9e: {  	_ =	swait.ge [sflag:s8], $0x80  }
0x9f: {  	[sflag:s8] =	ssyncset.done $0x0  }
0xa0: {  	s10 =	sadd.s32 $0x1, s10  }
0xa1: {  	p0 =	sne.s32 s10, s6  }
.Ltmp2:
0xa2: {  	[sflag:s8] =	ssyncadd.s32 $0xFFFFFF80;
	(pc) =	sbr.rel @p0 .LBB2_1-.Ltmp2, $4  }
0xa3: {  	[hbm4b:s5+s2] =	stream.linear.scatter [tilespmem:s9], [sflag:$0x2], $0x10000, $0x38;
	[tilespmem:$0x10200] =	vst v63  }
0xa4: {  	_ =	swait.ge [sflag:s7], $0x10000  }
0xa5: {  	[sflag:s7] =	ssyncset.done $0x0  }
0xa6: {  	[sflag:s7] =	ssyncadd.s32 $0xFFFF0000  }
0xa7: {  	_ =	sfence.sel $0x180000  }
0xa8: {  	[bflag:$0x0] =	sbarrier.arrive $0xFFFF  }
0xa9: {  	p0 =	sne.s32 s0, $0x0;
	_ =	strace $0x90000047  }
0xaa: {  	s0 =	sadd.s32 @!p0 $0x100000, s1;
	[bflag:$0x2] =	sbarrier.arrive $0xFFFF  }
0xab: {  	[sflag:s0] =	ssyncadd.tile.s32 @!p0 $0x1;
	_ =	shalt  }
.Lfunc_end2:
_tile_overlayer_lowered:
.L_overlay_start_2:
0xac: {  	(tag) =	ssettag $0x2  }
0xad: {  	s0 =	rddreg [dreg:$0x0];
	s2 =	stileid.u32  }
0xae: {  	s1 =	rddreg [dreg:$0x1];
	p0 =	sne.s32 s2, $0x0  }
0xaf: {  	s3 =	rddreg [dreg:$0x2];
	[bflag:$0x3] =	sbarrier.arrive $0xFFFF;
	s2 =	simm.s32 @!p0 $0x1C02  }
0xb0: {  	[timem:s3], [sflag:s2] =	dma.local @!p0 [hbm:s0], s1  }
0xb1: {  	s0 =	simm.s32 @!p0 $0x2  }
0xb2: {  	_ =	swait.ge @!p0 [sflag:s0], s1  }
0xb3: {  	s1 =	ssub.s32 @!p0 $0x0, s1;
	[sflag:s0] =	ssyncset.done @!p0 $0x0  }
0xb4: {  	[sflag:s0] =	ssyncadd.s32 @!p0 s1  }
0xb5: {  	[bflag:$0x3] =	sbarrier.arrive $0xFFFF  }
0xb6: {  	_ =	shalt  }

</sc_bundles>
